<compile_context>
chip_gen: v7x
topology: tpu7x:2x2x1
jax: 0.10.2.dev20260603
libtpu: 0.0.44.dev20260713+nightly
codegen_flags: <defaults>
</compile_context>

<pallas_src>
import functools

import jax
import jax.numpy as jnp
from jax import lax
from jax.experimental import pallas as pl
from jax.experimental.pallas import tpu as pltpu
from jax.experimental.pallas import tpu_sc as plsc

SEQ = 16384
EMBED = 64
NC = 2
NS = 16
NW = NC * NS
BPW = SEQ // NW
HS = 256
LANES = 16
VECS_PER_ROW = EMBED // LANES


def _emb_body(xr_hbm, tok_hbm, pos_hbm, out_hbm, idx_v, rows_v, pos_v, sem):
    wid = lax.axis_index("s") * NC + lax.axis_index("c")
    base = wid * BPW

    pltpu.sync_copy(xr_hbm.at[wid], idx_v)

    for h in range(BPW // HS):
        hbase = base + h * HS

        def fire(g, carry):
            v = idx_v[pl.ds(h * HS + g * LANES, LANES)]
            for l in range(LANES):
                pltpu.async_copy(tok_hbm.at[v[l]], rows_v.at[g * LANES + l], sem)
            return carry

        lax.fori_loop(0, HS // LANES, fire, 0)

        pltpu.sync_copy(pos_hbm.at[pl.ds(hbase, HS)], pos_v)

        pltpu.make_async_copy(tok_hbm.at[pl.ds(0, HS)], rows_v, sem).wait()

        def add_row(r, carry):
            for j in range(VECS_PER_ROW):
                sl = pl.ds(j * LANES, LANES)
                rows_v[r, sl] = rows_v[r, sl] + pos_v[r, sl]
            return carry

        lax.fori_loop(0, HS, add_row, 0, unroll=4)

        pltpu.sync_copy(rows_v, out_hbm.at[pl.ds(hbase, HS)])


def kernel(x, token_table, pos_table):
    xr = x.astype(jnp.int32).reshape(NW, BPW)
    mesh = plsc.VectorSubcoreMesh(core_axis_name="c", subcore_axis_name="s")
    out = pl.kernel(
        _emb_body,
        mesh=mesh,
        out_type=jax.ShapeDtypeStruct((SEQ, EMBED), jnp.float32),
        scratch_types=[
            pltpu.VMEM((BPW,), jnp.int32),
            pltpu.VMEM((HS, EMBED), jnp.float32),
            pltpu.VMEM((HS, EMBED), jnp.float32),
            pltpu.SemaphoreType.DMA,
        ],
    )(xr, token_table, pos_table)
    return out[None]

# --- scband reference (transcript-rebuilt; emitter-appended) ---
"""Pipeline reference for scband-transformer-embedding-45810121179217 (READ-ONLY COPY).

The authoritative reference and input builder live on the scoring server;
editing this copy changes nothing except your own understanding.
"""

import jax, jax.numpy as jnp
import numpy as np

VOCAB = 1000000
EMBED = 64
MAXLEN = 16384
SEQ = 16384

def setup_inputs(seed: int = 0) -> dict:
    key = jax.random.key(seed)
    k1, k2, k3 = jax.random.split(key, 3)
    x = jax.random.randint(k1, (SEQ,), 0, VOCAB, dtype=jnp.int64 if jax.config.jax_enable_x64 else jnp.int32)
    token_table = jax.random.normal(k2, (VOCAB, EMBED), dtype=jnp.float32) * 0.02
    pos_table = jax.random.normal(k3, (MAXLEN, EMBED), dtype=jnp.float32) * 0.02
    return {"x": x, "token_table": token_table, "pos_table": pos_table}

def reference(x, token_table, pos_table):
    # Faithful translation of TransformerEmbedding.forward:
    #   positions = torch.arange(x.size(0)).unsqueeze(0)
    #   return token_embeddings(x) + position_embeddings(positions)
    positions = jnp.arange(x.shape[0])[None, :]            # [1, SEQ]
    tok = jnp.take(token_table, x, axis=0)                 # [SEQ, EMBED]
    pos = jnp.take(pos_table, positions, axis=0)           # [1, SEQ, EMBED]
    return tok + pos                                       # [1, SEQ, EMBED]

if __name__ == "__main__":
    import jax
    _d = setup_inputs()
    print(jax.jit(kernel)(*tuple(_d.values())))

</pallas_src>

<mosaic_0001>
#map = affine_map<(d0, d1) -> (0, 0)>
module attributes {stable_mosaic.version = 14 : i64} {
  func.func @_emb_body(%arg0: i32, %arg1: i32, %arg2: memref<32x512xi32, #tpu.memory_space<hbm>>, %arg3: memref<1000000x64xf32, #tpu.memory_space<hbm>>, %arg4: memref<16384x64xf32, #tpu.memory_space<hbm>>, %arg5: memref<16384x64xf32, #tpu.memory_space<hbm>>, %arg6: memref<512xi32, #tpu.memory_space<vmem>>, %arg7: memref<256x64xf32, #tpu.memory_space<vmem>>, %arg8: memref<256x64xf32, #tpu.memory_space<vmem>>, %arg9: memref<!tpu.dma_semaphore, #tpu.memory_space<semaphore_mem>>) attributes {dimension_semantics = [#tpu.dimension_semantics<core_parallel>, #tpu.dimension_semantics<subcore_parallel>], iteration_bounds = array<i64: 2, 16>, scalar_prefetch = 0 : i64, scratch_operands = 4 : i64, tpu.core_type = #tpu.core_type<sc_vector_subcore>, window_params = [{transform_indices = #map}, {transform_indices = #map}, {transform_indices = #map}, {transform_indices = #map}]} {
    %mul3A = arith.constant 2 : i32
    %mul3A_0 = arith.muli %arg1, %mul3A : i32
    %add3A = arith.addi %mul3A_0, %arg0 : i32
    %mul3A_1 = arith.constant 512 : i32
    %mul3A_2 = arith.muli %add3A, %mul3A_1 : i32
    "tpu.region"() ({
      %run_scoped3A = tpu.sem_alloc : memref<!tpu.dma_semaphore, #tpu.memory_space<semaphore_mem>>
      %dma_start3A = arith.constant 0 : i32
      %dma_start3A_41 = tpu.memref_slice %arg2[%add3A, %dma_start3A] : memref<32x512xi32, #tpu.memory_space<hbm>> -> memref<1x512xi32, #tpu.memory_space<hbm>>
      %dma_start3A_42 = tpu.memref_squeeze %dma_start3A_41 : memref<1x512xi32, #tpu.memory_space<hbm>> -> memref<512xi32, #tpu.memory_space<hbm>>
      %dma_start3A_43 = arith.constant 0 : i32
      %dma_start3A_44 = tpu.memref_slice %arg2[%add3A, %dma_start3A_43] : memref<32x512xi32, #tpu.memory_space<hbm>> -> memref<1x512xi32, #tpu.memory_space<hbm>>
      %dma_start3A_45 = tpu.memref_squeeze %dma_start3A_44 : memref<1x512xi32, #tpu.memory_space<hbm>> -> memref<512xi32, #tpu.memory_space<hbm>>
      tpu.enqueue_dma source(%dma_start3A_45 : memref<512xi32, #tpu.memory_space<hbm>>) target(%arg6 : memref<512xi32, #tpu.memory_space<vmem>>) target_semaphore(%run_scoped3A : memref<!tpu.dma_semaphore, #tpu.memory_space<semaphore_mem>>)
      %dma_wait3A_46 = arith.constant 0 : i32
      %dma_wait3A_47 = tpu.memref_slice %arg2[%add3A, %dma_wait3A_46] : memref<32x512xi32, #tpu.memory_space<hbm>> -> memref<1x512xi32, #tpu.memory_space<hbm>>
      %dma_wait3A_48 = tpu.memref_squeeze %dma_wait3A_47 : memref<1x512xi32, #tpu.memory_space<hbm>> -> memref<512xi32, #tpu.memory_space<hbm>>
      %dma_wait3A_49 = arith.constant 0 : i32
      %dma_wait3A_50 = tpu.memref_slice %arg2[%add3A, %dma_wait3A_49] : memref<32x512xi32, #tpu.memory_space<hbm>> -> memref<1x512xi32, #tpu.memory_space<hbm>>
      %dma_wait3A_51 = tpu.memref_squeeze %dma_wait3A_50 : memref<1x512xi32, #tpu.memory_space<hbm>> -> memref<512xi32, #tpu.memory_space<hbm>>
      tpu.wait_dma2 semaphore(%run_scoped3A : memref<!tpu.dma_semaphore, #tpu.memory_space<semaphore_mem>>) src(%dma_wait3A_51 : memref<512xi32, #tpu.memory_space<hbm>>) dst(%arg6 : memref<512xi32, #tpu.memory_space<vmem>>)
      tpu.yield
    }) : () -> ()
    %add3A_3 = arith.constant 0 : i32
    %add3A_4 = arith.addi %mul3A_2, %add3A_3 : i32
    %scan3A = arith.constant 0 : i32
    %scan3A_5 = arith.constant 0 : i32
    %scan3A_6 = arith.constant 16 : i32
    %scan3A_7 = arith.addi %scan3A_5, %scan3A_6 : i32
    %scan3A_8 = arith.constant 1 : i32
    scf.for %scan3A_41 = %scan3A_5 to %scan3A_7 step %scan3A_8  : i32 {
      %mul3A_42 = arith.constant 16 : i32
      %mul3A_43 = arith.muli %scan3A_41, %mul3A_42 : i32
      %add3A_44 = arith.constant 0 : i32
      %add3A_45 = arith.addi %add3A_44, %mul3A_43 : i32
      %get3A = arith.index_cast %add3A_45 : i32 to index
      %get3A_46 = tpu.vector_load %arg6[%get3A] {strides = array<i32>} : memref<512xi32, #tpu.memory_space<vmem>>, vector<16xi32>,
      %get3A_47 = vector.shape_cast %get3A_46 : vector<16xi32> to vector<16xi32>
      %slice3A = vector.extract_strided_slice %get3A_47 {offsets = [0], sizes = [1], strides = [1]} : vector<16xi32> to vector<1xi32>
      %squeeze3A = vector.extract %slice3A[0] : i32 from vector<1xi32>
      %mul3A_48 = arith.constant 16 : i32
      %mul3A_49 = arith.muli %scan3A_41, %mul3A_48 : i32
      %add3A_50 = arith.constant 0 : i32
      %add3A_51 = arith.addi %mul3A_49, %add3A_50 : i32
      %dma_start3A = arith.constant 0 : i32
      %dma_start3A_52 = tpu.memref_slice %arg7[%add3A_51, %dma_start3A] : memref<256x64xf32, #tpu.memory_space<vmem>> -> memref<1x64xf32, #tpu.memory_space<vmem>>
      %dma_start3A_53 = tpu.memref_squeeze %dma_start3A_52 : memref<1x64xf32, #tpu.memory_space<vmem>> -> memref<64xf32, #tpu.memory_space<vmem>>
      %dma_start3A_54 = arith.constant 0 : i32
      %dma_start3A_55 = tpu.memref_slice %arg3[%squeeze3A, %dma_start3A_54] : memref<1000000x64xf32, #tpu.memory_space<hbm>> -> memref<1x64xf32, #tpu.memory_space<hbm>>
      %dma_start3A_56 = tpu.memref_squeeze %dma_start3A_55 : memref<1x64xf32, #tpu.memory_space<hbm>> -> memref<64xf32, #tpu.memory_space<hbm>>
      %dma_start3A_57 = arith.constant 0 : i32
      %dma_start3A_58 = tpu.memref_slice %arg7[%add3A_51, %dma_start3A_57] : memref<256x64xf32, #tpu.memory_space<vmem>> -> memref<1x64xf32, #tpu.memory_space<vmem>>
      %dma_start3A_59 = tpu.memref_squeeze %dma_start3A_58 : memref<1x64xf32, #tpu.memory_space<vmem>> -> memref<64xf32, #tpu.memory_space<vmem>>
      %dma_start3A_60 = arith.constant 0 : i32
      %dma_start3A_61 = tpu.memref_slice %arg3[%squeeze3A, %dma_start3A_60] : memref<1000000x64xf32, #tpu.memory_space<hbm>> -> memref<1x64xf32, #tpu.memory_space<hbm>>
      %dma_start3A_62 = tpu.memref_squeeze %dma_start3A_61 : memref<1x64xf32, #tpu.memory_space<hbm>> -> memref<64xf32, #tpu.memory_space<hbm>>
      tpu.enqueue_dma source(%dma_start3A_62 : memref<64xf32, #tpu.memory_space<hbm>>) target(%dma_start3A_59 : memref<64xf32, #tpu.memory_space<vmem>>) target_semaphore(%arg9 : memref<!tpu.dma_semaphore, #tpu.memory_space<semaphore_mem>>)
      %slice3A_63 = vector.extract_strided_slice %get3A_47 {offsets = [1], sizes = [1], strides = [1]} : vector<16xi32> to vector<1xi32>
      %squeeze3A_64 = vector.extract %slice3A_63[0] : i32 from vector<1xi32>
      %mul3A_65 = arith.constant 16 : i32
      %mul3A_66 = arith.muli %scan3A_41, %mul3A_65 : i32
      %add3A_67 = arith.constant 1 : i32
      %add3A_68 = arith.addi %mul3A_66, %add3A_67 : i32
      %dma_start3A_69 = arith.constant 0 : i32
      %dma_start3A_70 = tpu.memref_slice %arg7[%add3A_68, %dma_start3A_69] : memref<256x64xf32, #tpu.memory_space<vmem>> -> memref<1x64xf32, #tpu.memory_space<vmem>>
      %dma_start3A_71 = tpu.memref_squeeze %dma_start3A_70 : memref<1x64xf32, #tpu.memory_space<vmem>> -> memref<64xf32, #tpu.memory_space<vmem>>
      %dma_start3A_72 = arith.constant 0 : i32
      %dma_start3A_73 = tpu.memref_slice %arg3[%squeeze3A_64, %dma_start3A_72] : memref<1000000x64xf32, #tpu.memory_space<hbm>> -> memref<1x64xf32, #tpu.memory_space<hbm>>
      %dma_start3A_74 = tpu.memref_squeeze %dma_start3A_73 : memref<1x64xf32, #tpu.memory_space<hbm>> -> memref<64xf32, #tpu.memory_space<hbm>>
      %dma_start3A_75 = arith.constant 0 : i32
      %dma_start3A_76 = tpu.memref_slice %arg7[%add3A_68, %dma_start3A_75] : memref<256x64xf32, #tpu.memory_space<vmem>> -> memref<1x64xf32, #tpu.memory_space<vmem>>
      %dma_start3A_77 = tpu.memref_squeeze %dma_start3A_76 : memref<1x64xf32, #tpu.memory_space<vmem>> -> memref<64xf32, #tpu.memory_space<vmem>>
      %dma_start3A_78 = arith.constant 0 : i32
      %dma_start3A_79 = tpu.memref_slice %arg3[%squeeze3A_64, %dma_start3A_78] : memref<1000000x64xf32, #tpu.memory_space<hbm>> -> memref<1x64xf32, #tpu.memory_space<hbm>>
      %dma_start3A_80 = tpu.memref_squeeze %dma_start3A_79 : memref<1x64xf32, #tpu.memory_space<hbm>> -> memref<64xf32, #tpu.memory_space<hbm>>
      tpu.enqueue_dma source(%dma_start3A_80 : memref<64xf32, #tpu.memory_space<hbm>>) target(%dma_start3A_77 : memref<64xf32, #tpu.memory_space<vmem>>) target_semaphore(%arg9 : memref<!tpu.dma_semaphore, #tpu.memory_space<semaphore_mem>>)
      %slice3A_81 = vector.extract_strided_slice %get3A_47 {offsets = [2], sizes = [1], strides = [1]} : vector<16xi32> to vector<1xi32>
      %squeeze3A_82 = vector.extract %slice3A_81[0] : i32 from vector<1xi32>
      %mul3A_83 = arith.constant 16 : i32
      %mul3A_84 = arith.muli %scan3A_41, %mul3A_83 : i32
      %add3A_85 = arith.constant 2 : i32
      %add3A_86 = arith.addi %mul3A_84, %add3A_85 : i32
      %dma_start3A_87 = arith.constant 0 : i32
      %dma_start3A_88 = tpu.memref_slice %arg7[%add3A_86, %dma_start3A_87] : memref<256x64xf32, #tpu.memory_space<vmem>> -> memref<1x64xf32, #tpu.memory_space<vmem>>
      %dma_start3A_89 = tpu.memref_squeeze %dma_start3A_88 : memref<1x64xf32, #tpu.memory_space<vmem>> -> memref<64xf32, #tpu.memory_space<vmem>>
      %dma_start3A_90 = arith.constant 0 : i32
      %dma_start3A_91 = tpu.memref_slice %arg3[%squeeze3A_82, %dma_start3A_90] : memref<1000000x64xf32, #tpu.memory_space<hbm>> -> memref<1x64xf32, #tpu.memory_space<hbm>>
      %dma_start3A_92 = tpu.memref_squeeze %dma_start3A_91 : memref<1x64xf32, #tpu.memory_space<hbm>> -> memref<64xf32, #tpu.memory_space<hbm>>
      %dma_start3A_93 = arith.constant 0 : i32
      %dma_start3A_94 = tpu.memref_slice %arg7[%add3A_86, %dma_start3A_93] : memref<256x64xf32, #tpu.memory_space<vmem>> -> memref<1x64xf32, #tpu.memory_space<vmem>>
      %dma_start3A_95 = tpu.memref_squeeze %dma_start3A_94 : memref<1x64xf32, #tpu.memory_space<vmem>> -> memref<64xf32, #tpu.memory_space<vmem>>
      %dma_start3A_96 = arith.constant 0 : i32
      %dma_start3A_97 = tpu.memref_slice %arg3[%squeeze3A_82, %dma_start3A_96] : memref<1000000x64xf32, #tpu.memory_space<hbm>> -> memref<1x64xf32, #tpu.memory_space<hbm>>
      %dma_start3A_98 = tpu.memref_squeeze %dma_start3A_97 : memref<1x64xf32, #tpu.memory_space<hbm>> -> memref<64xf32, #tpu.memory_space<hbm>>
      tpu.enqueue_dma source(%dma_start3A_98 : memref<64xf32, #tpu.memory_space<hbm>>) target(%dma_start3A_95 : memref<64xf32, #tpu.memory_space<vmem>>) target_semaphore(%arg9 : memref<!tpu.dma_semaphore, #tpu.memory_space<semaphore_mem>>)
      %slice3A_99 = vector.extract_strided_slice %get3A_47 {offsets = [3], sizes = [1], strides = [1]} : vector<16xi32> to vector<1xi32>
      %squeeze3A_100 = vector.extract %slice3A_99[0] : i32 from vector<1xi32>
      %mul3A_101 = arith.constant 16 : i32
      %mul3A_102 = arith.muli %scan3A_41, %mul3A_101 : i32
      %add3A_103 = arith.constant 3 : i32
      %add3A_104 = arith.addi %mul3A_102, %add3A_103 : i32
      %dma_start3A_105 = arith.constant 0 : i32
      %dma_start3A_106 = tpu.memref_slice %arg7[%add3A_104, %dma_start3A_105] : memref<256x64xf32, #tpu.memory_space<vmem>> -> memref<1x64xf32, #tpu.memory_space<vmem>>
      %dma_start3A_107 = tpu.memref_squeeze %dma_start3A_106 : memref<1x64xf32, #tpu.memory_space<vmem>> -> memref<64xf32, #tpu.memory_space<vmem>>
      %dma_start3A_108 = arith.constant 0 : i32
      %dma_start3A_109 = tpu.memref_slice %arg3[%squeeze3A_100, %dma_start3A_108] : memref<1000000x64xf32, #tpu.memory_space<hbm>> -> memref<1x64xf32, #tpu.memory_space<hbm>>
      %dma_start3A_110 = tpu.memref_squeeze %dma_start3A_109 : memref<1x64xf32, #tpu.memory_space<hbm>> -> memref<64xf32, #tpu.memory_space<hbm>>
      %dma_start3A_111 = arith.constant 0 : i32
      %dma_start3A_112 = tpu.memref_slice %arg7[%add3A_104, %dma_start3A_111] : memref<256x64xf32, #tpu.memory_space<vmem>> -> memref<1x64xf32, #tpu.memory_space<vmem>>
      %dma_start3A_113 = tpu.memref_squeeze %dma_start3A_112 : memref<1x64xf32, #tpu.memory_space<vmem>> -> memref<64xf32, #tpu.memory_space<vmem>>
      %dma_start3A_114 = arith.constant 0 : i32
      %dma_start3A_115 = tpu.memref_slice %arg3[%squeeze3A_100, %dma_start3A_114] : memref<1000000x64xf32, #tpu.memory_space<hbm>> -> memref<1x64xf32, #tpu.memory_space<hbm>>
      %dma_start3A_116 = tpu.memref_squeeze %dma_start3A_115 : memref<1x64xf32, #tpu.memory_space<hbm>> -> memref<64xf32, #tpu.memory_space<hbm>>
      tpu.enqueue_dma source(%dma_start3A_116 : memref<64xf32, #tpu.memory_space<hbm>>) target(%dma_start3A_113 : memref<64xf32, #tpu.memory_space<vmem>>) target_semaphore(%arg9 : memref<!tpu.dma_semaphore, #tpu.memory_space<semaphore_mem>>)
      %slice3A_117 = vector.extract_strided_slice %get3A_47 {offsets = [4], sizes = [1], strides = [1]} : vector<16xi32> to vector<1xi32>
      %squeeze3A_118 = vector.extract %slice3A_117[0] : i32 from vector<1xi32>
      %mul3A_119 = arith.constant 16 : i32
      %mul3A_120 = arith.muli %scan3A_41, %mul3A_119 : i32
      %add3A_121 = arith.constant 4 : i32
      %add3A_122 = arith.addi %mul3A_120, %add3A_121 : i32
      %dma_start3A_123 = arith.constant 0 : i32
      %dma_start3A_124 = tpu.memref_slice %arg7[%add3A_122, %dma_start3A_123] : memref<256x64xf32, #tpu.memory_space<vmem>> -> memref<1x64xf32, #tpu.memory_space<vmem>>
      %dma_start3A_125 = tpu.memref_squeeze %dma_start3A_124 : memref<1x64xf32, #tpu.memory_space<vmem>> -> memref<64xf32, #tpu.memory_space<vmem>>
      %dma_start3A_126 = arith.constant 0 : i32
      %dma_start3A_127 = tpu.memref_slice %arg3[%squeeze3A_118, %dma_start3A_126] : memref<1000000x64xf32, #tpu.memory_space<hbm>> -> memref<1x64xf32, #tpu.memory_space<hbm>>
      %dma_start3A_128 = tpu.memref_squeeze %dma_start3A_127 : memref<1x64xf32, #tpu.memory_space<hbm>> -> memref<64xf32, #tpu.memory_space<hbm>>
      %dma_start3A_129 = arith.constant 0 : i32
      %dma_start3A_130 = tpu.memref_slice %arg7[%add3A_122, %dma_start3A_129] : memref<256x64xf32, #tpu.memory_space<vmem>> -> memref<1x64xf32, #tpu.memory_space<vmem>>
      %dma_start3A_131 = tpu.memref_squeeze %dma_start3A_130 : memref<1x64xf32, #tpu.memory_space<vmem>> -> memref<64xf32, #tpu.memory_space<vmem>>
      %dma_start3A_132 = arith.constant 0 : i32
      %dma_start3A_133 = tpu.memref_slice %arg3[%squeeze3A_118, %dma_start3A_132] : memref<1000000x64xf32, #tpu.memory_space<hbm>> -> memref<1x64xf32, #tpu.memory_space<hbm>>
      %dma_start3A_134 = tpu.memref_squeeze %dma_start3A_133 : memref<1x64xf32, #tpu.memory_space<hbm>> -> memref<64xf32, #tpu.memory_space<hbm>>
      tpu.enqueue_dma source(%dma_start3A_134 : memref<64xf32, #tpu.memory_space<hbm>>) target(%dma_start3A_131 : memref<64xf32, #tpu.memory_space<vmem>>) target_semaphore(%arg9 : memref<!tpu.dma_semaphore, #tpu.memory_space<semaphore_mem>>)
      %slice3A_135 = vector.extract_strided_slice %get3A_47 {offsets = [5], sizes = [1], strides = [1]} : vector<16xi32> to vector<1xi32>
      %squeeze3A_136 = vector.extract %slice3A_135[0] : i32 from vector<1xi32>
      %mul3A_137 = arith.constant 16 : i32
      %mul3A_138 = arith.muli %scan3A_41, %mul3A_137 : i32
      %add3A_139 = arith.constant 5 : i32
      %add3A_140 = arith.addi %mul3A_138, %add3A_139 : i32
      %dma_start3A_141 = arith.constant 0 : i32
      %dma_start3A_142 = tpu.memref_slice %arg7[%add3A_140, %dma_start3A_141] : memref<256x64xf32, #tpu.memory_space<vmem>> -> memref<1x64xf32, #tpu.memory_space<vmem>>
      %dma_start3A_143 = tpu.memref_squeeze %dma_start3A_142 : memref<1x64xf32, #tpu.memory_space<vmem>> -> memref<64xf32, #tpu.memory_space<vmem>>
      %dma_start3A_144 = arith.constant 0 : i32
      %dma_start3A_145 = tpu.memref_slice %arg3[%squeeze3A_136, %dma_start3A_144] : memref<1000000x64xf32, #tpu.memory_space<hbm>> -> memref<1x64xf32, #tpu.memory_space<hbm>>
      %dma_start3A_146 = tpu.memref_squeeze %dma_start3A_145 : memref<1x64xf32, #tpu.memory_space<hbm>> -> memref<64xf32, #tpu.memory_space<hbm>>
      %dma_start3A_147 = arith.constant 0 : i32
      %dma_start3A_148 = tpu.memref_slice %arg7[%add3A_140, %dma_start3A_147] : memref<256x64xf32, #tpu.memory_space<vmem>> -> memref<1x64xf32, #tpu.memory_space<vmem>>
      %dma_start3A_149 = tpu.memref_squeeze %dma_start3A_148 : memref<1x64xf32, #tpu.memory_space<vmem>> -> memref<64xf32, #tpu.memory_space<vmem>>
      %dma_start3A_150 = arith.constant 0 : i32
      %dma_start3A_151 = tpu.memref_slice %arg3[%squeeze3A_136, %dma_start3A_150] : memref<1000000x64xf32, #tpu.memory_space<hbm>> -> memref<1x64xf32, #tpu.memory_space<hbm>>
      %dma_start3A_152 = tpu.memref_squeeze %dma_start3A_151 : memref<1x64xf32, #tpu.memory_space<hbm>> -> memref<64xf32, #tpu.memory_space<hbm>>
      tpu.enqueue_dma source(%dma_start3A_152 : memref<64xf32, #tpu.memory_space<hbm>>) target(%dma_start3A_149 : memref<64xf32, #tpu.memory_space<vmem>>) target_semaphore(%arg9 : memref<!tpu.dma_semaphore, #tpu.memory_space<semaphore_mem>>)
      %slice3A_153 = vector.extract_strided_slice %get3A_47 {offsets = [6], sizes = [1], strides = [1]} : vector<16xi32> to vector<1xi32>
      %squeeze3A_154 = vector.extract %slice3A_153[0] : i32 from vector<1xi32>
      %mul3A_155 = arith.constant 16 : i32
      %mul3A_156 = arith.muli %scan3A_41, %mul3A_155 : i32
      %add3A_157 = arith.constant 6 : i32
      %add3A_158 = arith.addi %mul3A_156, %add3A_157 : i32
      %dma_start3A_159 = arith.constant 0 : i32
      %dma_start3A_160 = tpu.memref_slice %arg7[%add3A_158, %dma_start3A_159] : memref<256x64xf32, #tpu.memory_space<vmem>> -> memref<1x64xf32, #tpu.memory_space<vmem>>
      %dma_start3A_161 = tpu.memref_squeeze %dma_start3A_160 : memref<1x64xf32, #tpu.memory_space<vmem>> -> memref<64xf32, #tpu.memory_space<vmem>>
      %dma_start3A_162 = arith.constant 0 : i32
      %dma_start3A_163 = tpu.memref_slice %arg3[%squeeze3A_154, %dma_start3A_162] : memref<1000000x64xf32, #tpu.memory_space<hbm>> -> memref<1x64xf32, #tpu.memory_space<hbm>>
      %dma_start3A_164 = tpu.memref_squeeze %dma_start3A_163 : memref<1x64xf32, #tpu.memory_space<hbm>> -> memref<64xf32, #tpu.memory_space<hbm>>
      %dma_start3A_165 = arith.constant 0 : i32
      %dma_start3A_166 = tpu.memref_slice %arg7[%add3A_158, %dma_start3A_165] : memref<256x64xf32, #tpu.memory_space<vmem>> -> memref<1x64xf32, #tpu.memory_space<vmem>>
      %dma_start3A_167 = tpu.memref_squeeze %dma_start3A_166 : memref<1x64xf32, #tpu.memory_space<vmem>> -> memref<64xf32, #tpu.memory_space<vmem>>
      %dma_start3A_168 = arith.constant 0 : i32
      %dma_start3A_169 = tpu.memref_slice %arg3[%squeeze3A_154, %dma_start3A_168] : memref<1000000x64xf32, #tpu.memory_space<hbm>> -> memref<1x64xf32, #tpu.memory_space<hbm>>
      %dma_start3A_170 = tpu.memref_squeeze %dma_start3A_169 : memref<1x64xf32, #tpu.memory_space<hbm>> -> memref<64xf32, #tpu.memory_space<hbm>>
      tpu.enqueue_dma source(%dma_start3A_170 : memref<64xf32, #tpu.memory_space<hbm>>) target(%dma_start3A_167 : memref<64xf32, #tpu.memory_space<vmem>>) target_semaphore(%arg9 : memref<!tpu.dma_semaphore, #tpu.memory_space<semaphore_mem>>)
      %slice3A_171 = vector.extract_strided_slice %get3A_47 {offsets = [7], sizes = [1], strides = [1]} : vector<16xi32> to vector<1xi32>
      %squeeze3A_172 = vector.extract %slice3A_171[0] : i32 from vector<1xi32>
      %mul3A_173 = arith.constant 16 : i32
      %mul3A_174 = arith.muli %scan3A_41, %mul3A_173 : i32
      %add3A_175 = arith.constant 7 : i32
      %add3A_176 = arith.addi %mul3A_174, %add3A_175 : i32
      %dma_start3A_177 = arith.constant 0 : i32
      %dma_start3A_178 = tpu.memref_slice %arg7[%add3A_176, %dma_start3A_177] : memref<256x64xf32, #tpu.memory_space<vmem>> -> memref<1x64xf32, #tpu.memory_space<vmem>>
      %dma_start3A_179 = tpu.memref_squeeze %dma_start3A_178 : memref<1x64xf32, #tpu.memory_space<vmem>> -> memref<64xf32, #tpu.memory_space<vmem>>
      %dma_start3A_180 = arith.constant 0 : i32
      %dma_start3A_181 = tpu.memref_slice %arg3[%squeeze3A_172, %dma_start3A_180] : memref<1000000x64xf32, #tpu.memory_space<hbm>> -> memref<1x64xf32, #tpu.memory_space<hbm>>
      %dma_start3A_182 = tpu.memref_squeeze %dma_start3A_181 : memref<1x64xf32, #tpu.memory_space<hbm>> -> memref<64xf32, #tpu.memory_space<hbm>>
      %dma_start3A_183 = arith.constant 0 : i32
      %dma_start3A_184 = tpu.memref_slice %arg7[%add3A_176, %dma_start3A_183] : memref<256x64xf32, #tpu.memory_space<vmem>> -> memref<1x64xf32, #tpu.memory_space<vmem>>
      %dma_start3A_185 = tpu.memref_squeeze %dma_start3A_184 : memref<1x64xf32, #tpu.memory_space<vmem>> -> memref<64xf32, #tpu.memory_space<vmem>>
      %dma_start3A_186 = arith.constant 0 : i32
      %dma_start3A_187 = tpu.memref_slice %arg3[%squeeze3A_172, %dma_start3A_186] : memref<1000000x64xf32, #tpu.memory_space<hbm>> -> memref<1x64xf32, #tpu.memory_space<hbm>>
      %dma_start3A_188 = tpu.memref_squeeze %dma_start3A_187 : memref<1x64xf32, #tpu.memory_space<hbm>> -> memref<64xf32, #tpu.memory_space<hbm>>
      tpu.enqueue_dma source(%dma_start3A_188 : memref<64xf32, #tpu.memory_space<hbm>>) target(%dma_start3A_185 : memref<64xf32, #tpu.memory_space<vmem>>) target_semaphore(%arg9 : memref<!tpu.dma_semaphore, #tpu.memory_space<semaphore_mem>>)
      %slice3A_189 = vector.extract_strided_slice %get3A_47 {offsets = [8], sizes = [1], strides = [1]} : vector<16xi32> to vector<1xi32>
      %squeeze3A_190 = vector.extract %slice3A_189[0] : i32 from vector<1xi32>
      %mul3A_191 = arith.constant 16 : i32
      %mul3A_192 = arith.muli %scan3A_41, %mul3A_191 : i32
      %add3A_193 = arith.constant 8 : i32
      %add3A_194 = arith.addi %mul3A_192, %add3A_193 : i32
      %dma_start3A_195 = arith.constant 0 : i32
      %dma_start3A_196 = tpu.memref_slice %arg7[%add3A_194, %dma_start3A_195] : memref<256x64xf32, #tpu.memory_space<vmem>> -> memref<1x64xf32, #tpu.memory_space<vmem>>
      %dma_start3A_197 = tpu.memref_squeeze %dma_start3A_196 : memref<1x64xf32, #tpu.memory_space<vmem>> -> memref<64xf32, #tpu.memory_space<vmem>>
      %dma_start3A_198 = arith.constant 0 : i32
      %dma_start3A_199 = tpu.memref_slice %arg3[%squeeze3A_190, %dma_start3A_198] : memref<1000000x64xf32, #tpu.memory_space<hbm>> -> memref<1x64xf32, #tpu.memory_space<hbm>>
      %dma_start3A_200 = tpu.memref_squeeze %dma_start3A_199 : memref<1x64xf32, #tpu.memory_space<hbm>> -> memref<64xf32, #tpu.memory_space<hbm>>
      %dma_start3A_201 = arith.constant 0 : i32
      %dma_start3A_202 = tpu.memref_slice %arg7[%add3A_194, %dma_start3A_201] : memref<256x64xf32, #tpu.memory_space<vmem>> -> memref<1x64xf32, #tpu.memory_space<vmem>>
      %dma_start3A_203 = tpu.memref_squeeze %dma_start3A_202 : memref<1x64xf32, #tpu.memory_space<vmem>> -> memref<64xf32, #tpu.memory_space<vmem>>
      %dma_start3A_204 = arith.constant 0 : i32
      %dma_start3A_205 = tpu.memref_slice %arg3[%squeeze3A_190, %dma_start3A_204] : memref<1000000x64xf32, #tpu.memory_space<hbm>> -> memref<1x64xf32, #tpu.memory_space<hbm>>
      %dma_start3A_206 = tpu.memref_squeeze %dma_start3A_205 : memref<1x64xf32, #tpu.memory_space<hbm>> -> memref<64xf32, #tpu.memory_space<hbm>>
      tpu.enqueue_dma source(%dma_start3A_206 : memref<64xf32, #tpu.memory_space<hbm>>) target(%dma_start3A_203 : memref<64xf32, #tpu.memory_space<vmem>>) target_semaphore(%arg9 : memref<!tpu.dma_semaphore, #tpu.memory_space<semaphore_mem>>)
      %slice3A_207 = vector.extract_strided_slice %get3A_47 {offsets = [9], sizes = [1], strides = [1]} : vector<16xi32> to vector<1xi32>
      %squeeze3A_208 = vector.extract %slice3A_207[0] : i32 from vector<1xi32>
      %mul3A_209 = arith.constant 16 : i32
      %mul3A_210 = arith.muli %scan3A_41, %mul3A_209 : i32
      %add3A_211 = arith.constant 9 : i32
      %add3A_212 = arith.addi %mul3A_210, %add3A_211 : i32
      %dma_start3A_213 = arith.constant 0 : i32
      %dma_start3A_214 = tpu.memref_slice %arg7[%add3A_212, %dma_start3A_213] : memref<256x64xf32, #tpu.memory_space<vmem>> -> memref<1x64xf32, #tpu.memory_space<vmem>>
      %dma_start3A_215 = tpu.memref_squeeze %dma_start3A_214 : memref<1x64xf32, #tpu.memory_space<vmem>> -> memref<64xf32, #tpu.memory_space<vmem>>
      %dma_start3A_216 = arith.constant 0 : i32
      %dma_start3A_217 = tpu.memref_slice %arg3[%squeeze3A_208, %dma_start3A_216] : memref<1000000x64xf32, #tpu.memory_space<hbm>> -> memref<1x64xf32, #tpu.memory_space<hbm>>
      %dma_start3A_218 = tpu.memref_squeeze %dma_start3A_217 : memref<1x64xf32, #tpu.memory_space<hbm>> -> memref<64xf32, #tpu.memory_space<hbm>>
      %dma_start3A_219 = arith.constant 0 : i32
      %dma_start3A_220 = tpu.memref_slice %arg7[%add3A_212, %dma_start3A_219] : memref<256x64xf32, #tpu.memory_space<vmem>> -> memref<1x64xf32, #tpu.memory_space<vmem>>
      %dma_start3A_221 = tpu.memref_squeeze %dma_start3A_220 : memref<1x64xf32, #tpu.memory_space<vmem>> -> memref<64xf32, #tpu.memory_space<vmem>>
      %dma_start3A_222 = arith.constant 0 : i32
      %dma_start3A_223 = tpu.memref_slice %arg3[%squeeze3A_208, %dma_start3A_222] : memref<1000000x64xf32, #tpu.memory_space<hbm>> -> memref<1x64xf32, #tpu.memory_space<hbm>>
      %dma_start3A_224 = tpu.memref_squeeze %dma_start3A_223 : memref<1x64xf32, #tpu.memory_space<hbm>> -> memref<64xf32, #tpu.memory_space<hbm>>
      tpu.enqueue_dma source(%dma_start3A_224 : memref<64xf32, #tpu.memory_space<hbm>>) target(%dma_start3A_221 : memref<64xf32, #tpu.memory_space<vmem>>) target_semaphore(%arg9 : memref<!tpu.dma_semaphore, #tpu.memory_space<semaphore_mem>>)
      %slice3A_225 = vector.extract_strided_slice %get3A_47 {offsets = [10], sizes = [1], strides = [1]} : vector<16xi32> to vector<1xi32>
      %squeeze3A_226 = vector.extract %slice3A_225[0] : i32 from vector<1xi32>
      %mul3A_227 = arith.constant 16 : i32
      %mul3A_228 = arith.muli %scan3A_41, %mul3A_227 : i32
      %add3A_229 = arith.constant 10 : i32
      %add3A_230 = arith.addi %mul3A_228, %add3A_229 : i32
      %dma_start3A_231 = arith.constant 0 : i32
      %dma_start3A_232 = tpu.memref_slice %arg7[%add3A_230, %dma_start3A_231] : memref<256x64xf32, #tpu.memory_space<vmem>> -> memref<1x64xf32, #tpu.memory_space<vmem>>
      %dma_start3A_233 = tpu.memref_squeeze %dma_start3A_232 : memref<1x64xf32, #tpu.memory_space<vmem>> -> memref<64xf32, #tpu.memory_space<vmem>>
      %dma_start3A_234 = arith.constant 0 : i32
      %dma_start3A_235 = tpu.memref_slice %arg3[%squeeze3A_226, %dma_start3A_234] : memref<1000000x64xf32, #tpu.memory_space<hbm>> -> memref<1x64xf32, #tpu.memory_space<hbm>>
      %dma_start3A_236 = tpu.memref_squeeze %dma_start3A_235 : memref<1x64xf32, #tpu.memory_space<hbm>> -> memref<64xf32, #tpu.memory_space<hbm>>
      %dma_start3A_237 = arith.constant 0 : i32
      %dma_start3A_238 = tpu.memref_slice %arg7[%add3A_230, %dma_start3A_237] : memref<256x64xf32, #tpu.memory_space<vmem>> -> memref<1x64xf32, #tpu.memory_space<vmem>>
      %dma_start3A_239 = tpu.memref_squeeze %dma_start3A_238 : memref<1x64xf32, #tpu.memory_space<vmem>> -> memref<64xf32, #tpu.memory_space<vmem>>
      %dma_start3A_240 = arith.constant 0 : i32
      %dma_start3A_241 = tpu.memref_slice %arg3[%squeeze3A_226, %dma_start3A_240] : memref<1000000x64xf32, #tpu.memory_space<hbm>> -> memref<1x64xf32, #tpu.memory_space<hbm>>
      %dma_start3A_242 = tpu.memref_squeeze %dma_start3A_241 : memref<1x64xf32, #tpu.memory_space<hbm>> -> memref<64xf32, #tpu.memory_space<hbm>>
      tpu.enqueue_dma source(%dma_start3A_242 : memref<64xf32, #tpu.memory_space<hbm>>) target(%dma_start3A_239 : memref<64xf32, #tpu.memory_space<vmem>>) target_semaphore(%arg9 : memref<!tpu.dma_semaphore, #tpu.memory_space<semaphore_mem>>)
      %slice3A_243 = vector.extract_strided_slice %get3A_47 {offsets = [11], sizes = [1], strides = [1]} : vector<16xi32> to vector<1xi32>
      %squeeze3A_244 = vector.extract %slice3A_243[0] : i32 from vector<1xi32>
      %mul3A_245 = arith.constant 16 : i32
      %mul3A_246 = arith.muli %scan3A_41, %mul3A_245 : i32
      %add3A_247 = arith.constant 11 : i32
      %add3A_248 = arith.addi %mul3A_246, %add3A_247 : i32
      %dma_start3A_249 = arith.constant 0 : i32
      %dma_start3A_250 = tpu.memref_slice %arg7[%add3A_248, %dma_start3A_249] : memref<256x64xf32, #tpu.memory_space<vmem>> -> memref<1x64xf32, #tpu.memory_space<vmem>>
      %dma_start3A_251 = tpu.memref_squeeze %dma_start3A_250 : memref<1x64xf32, #tpu.memory_space<vmem>> -> memref<64xf32, #tpu.memory_space<vmem>>
      %dma_start3A_252 = arith.constant 0 : i32
      %dma_start3A_253 = tpu.memref_slice %arg3[%squeeze3A_244, %dma_start3A_252] : memref<1000000x64xf32, #tpu.memory_space<hbm>> -> memref<1x64xf32, #tpu.memory_space<hbm>>
      %dma_start3A_254 = tpu.memref_squeeze %dma_start3A_253 : memref<1x64xf32, #tpu.memory_space<hbm>> -> memref<64xf32, #tpu.memory_space<hbm>>
      %dma_start3A_255 = arith.constant 0 : i32
      %dma_start3A_256 = tpu.memref_slice %arg7[%add3A_248, %dma_start3A_255] : memref<256x64xf32, #tpu.memory_space<vmem>> -> memref<1x64xf32, #tpu.memory_space<vmem>>
      %dma_start3A_257 = tpu.memref_squeeze %dma_start3A_256 : memref<1x64xf32, #tpu.memory_space<vmem>> -> memref<64xf32, #tpu.memory_space<vmem>>
      %dma_start3A_258 = arith.constant 0 : i32
      %dma_start3A_259 = tpu.memref_slice %arg3[%squeeze3A_244, %dma_start3A_258] : memref<1000000x64xf32, #tpu.memory_space<hbm>> -> memref<1x64xf32, #tpu.memory_space<hbm>>
      %dma_start3A_260 = tpu.memref_squeeze %dma_start3A_259 : memref<1x64xf32, #tpu.memory_space<hbm>> -> memref<64xf32, #tpu.memory_space<hbm>>
      tpu.enqueue_dma source(%dma_start3A_260 : memref<64xf32, #tpu.memory_space<hbm>>) target(%dma_start3A_257 : memref<64xf32, #tpu.memory_space<vmem>>) target_semaphore(%arg9 : memref<!tpu.dma_semaphore, #tpu.memory_space<semaphore_mem>>)
      %slice3A_261 = vector.extract_strided_slice %get3A_47 {offsets = [12], sizes = [1], strides = [1]} : vector<16xi32> to vector<1xi32>
      %squeeze3A_262 = vector.extract %slice3A_261[0] : i32 from vector<1xi32>
      %mul3A_263 = arith.constant 16 : i32
      %mul3A_264 = arith.muli %scan3A_41, %mul3A_263 : i32
      %add3A_265 = arith.constant 12 : i32
      %add3A_266 = arith.addi %mul3A_264, %add3A_265 : i32
      %dma_start3A_267 = arith.constant 0 : i32
      %dma_start3A_268 = tpu.memref_slice %arg7[%add3A_266, %dma_start3A_267] : memref<256x64xf32, #tpu.memory_space<vmem>> -> memref<1x64xf32, #tpu.memory_space<vmem>>
      %dma_start3A_269 = tpu.memref_squeeze %dma_start3A_268 : memref<1x64xf32, #tpu.memory_space<vmem>> -> memref<64xf32, #tpu.memory_space<vmem>>
      %dma_start3A_270 = arith.constant 0 : i32
      %dma_start3A_271 = tpu.memref_slice %arg3[%squeeze3A_262, %dma_start3A_270] : memref<1000000x64xf32, #tpu.memory_space<hbm>> -> memref<1x64xf32, #tpu.memory_space<hbm>>
      %dma_start3A_272 = tpu.memref_squeeze %dma_start3A_271 : memref<1x64xf32, #tpu.memory_space<hbm>> -> memref<64xf32, #tpu.memory_space<hbm>>
      %dma_start3A_273 = arith.constant 0 : i32
      %dma_start3A_274 = tpu.memref_slice %arg7[%add3A_266, %dma_start3A_273] : memref<256x64xf32, #tpu.memory_space<vmem>> -> memref<1x64xf32, #tpu.memory_space<vmem>>
      %dma_start3A_275 = tpu.memref_squeeze %dma_start3A_274 : memref<1x64xf32, #tpu.memory_space<vmem>> -> memref<64xf32, #tpu.memory_space<vmem>>
      %dma_start3A_276 = arith.constant 0 : i32
      %dma_start3A_277 = tpu.memref_slice %arg3[%squeeze3A_262, %dma_start3A_276] : memref<1000000x64xf32, #tpu.memory_space<hbm>> -> memref<1x64xf32, #tpu.memory_space<hbm>>
      %dma_start3A_278 = tpu.memref_squeeze %dma_start3A_277 : memref<1x64xf32, #tpu.memory_space<hbm>> -> memref<64xf32, #tpu.memory_space<hbm>>
      tpu.enqueue_dma source(%dma_start3A_278 : memref<64xf32, #tpu.memory_space<hbm>>) target(%dma_start3A_275 : memref<64xf32, #tpu.memory_space<vmem>>) target_semaphore(%arg9 : memref<!tpu.dma_semaphore, #tpu.memory_space<semaphore_mem>>)
      %slice3A_279 = vector.extract_strided_slice %get3A_47 {offsets = [13], sizes = [1], strides = [1]} : vector<16xi32> to vector<1xi32>
      %squeeze3A_280 = vector.extract %slice3A_279[0] : i32 from vector<1xi32>
      %mul3A_281 = arith.constant 16 : i32
      %mul3A_282 = arith.muli %scan3A_41, %mul3A_281 : i32
      %add3A_283 = arith.constant 13 : i32
      %add3A_284 = arith.addi %mul3A_282, %add3A_283 : i32
      %dma_start3A_285 = arith.constant 0 : i32
      %dma_start3A_286 = tpu.memref_slice %arg7[%add3A_284, %dma_start3A_285] : memref<256x64xf32, #tpu.memory_space<vmem>> -> memref<1x64xf32, #tpu.memory_space<vmem>>
      %dma_start3A_287 = tpu.memref_squeeze %dma_start3A_286 : memref<1x64xf32, #tpu.memory_space<vmem>> -> memref<64xf32, #tpu.memory_space<vmem>>
      %dma_start3A_288 = arith.constant 0 : i32
      %dma_start3A_289 = tpu.memref_slice %arg3[%squeeze3A_280, %dma_start3A_288] : memref<1000000x64xf32, #tpu.memory_space<hbm>> -> memref<1x64xf32, #tpu.memory_space<hbm>>
      %dma_start3A_290 = tpu.memref_squeeze %dma_start3A_289 : memref<1x64xf32, #tpu.memory_space<hbm>> -> memref<64xf32, #tpu.memory_space<hbm>>
      %dma_start3A_291 = arith.constant 0 : i32
      %dma_start3A_292 = tpu.memref_slice %arg7[%add3A_284, %dma_start3A_291] : memref<256x64xf32, #tpu.memory_space<vmem>> -> memref<1x64xf32, #tpu.memory_space<vmem>>
      %dma_start3A_293 = tpu.memref_squeeze %dma_start3A_292 : memref<1x64xf32, #tpu.memory_space<vmem>> -> memref<64xf32, #tpu.memory_space<vmem>>
      %dma_start3A_294 = arith.constant 0 : i32
      %dma_start3A_295 = tpu.memref_slice %arg3[%squeeze3A_280, %dma_start3A_294] : memref<1000000x64xf32, #tpu.memory_space<hbm>> -> memref<1x64xf32, #tpu.memory_space<hbm>>
      %dma_start3A_296 = tpu.memref_squeeze %dma_start3A_295 : memref<1x64xf32, #tpu.memory_space<hbm>> -> memref<64xf32, #tpu.memory_space<hbm>>
      tpu.enqueue_dma source(%dma_start3A_296 : memref<64xf32, #tpu.memory_space<hbm>>) target(%dma_start3A_293 : memref<64xf32, #tpu.memory_space<vmem>>) target_semaphore(%arg9 : memref<!tpu.dma_semaphore, #tpu.memory_space<semaphore_mem>>)
      %slice3A_297 = vector.extract_strided_slice %get3A_47 {offsets = [14], sizes = [1], strides = [1]} : vector<16xi32> to vector<1xi32>
      %squeeze3A_298 = vector.extract %slice3A_297[0] : i32 from vector<1xi32>
      %mul3A_299 = arith.constant 16 : i32
      %mul3A_300 = arith.muli %scan3A_41, %mul3A_299 : i32
      %add3A_301 = arith.constant 14 : i32
      %add3A_302 = arith.addi %mul3A_300, %add3A_301 : i32
      %dma_start3A_303 = arith.constant 0 : i32
      %dma_start3A_304 = tpu.memref_slice %arg7[%add3A_302, %dma_start3A_303] : memref<256x64xf32, #tpu.memory_space<vmem>> -> memref<1x64xf32, #tpu.memory_space<vmem>>
      %dma_start3A_305 = tpu.memref_squeeze %dma_start3A_304 : memref<1x64xf32, #tpu.memory_space<vmem>> -> memref<64xf32, #tpu.memory_space<vmem>>
      %dma_start3A_306 = arith.constant 0 : i32
      %dma_start3A_307 = tpu.memref_slice %arg3[%squeeze3A_298, %dma_start3A_306] : memref<1000000x64xf32, #tpu.memory_space<hbm>> -> memref<1x64xf32, #tpu.memory_space<hbm>>
      %dma_start3A_308 = tpu.memref_squeeze %dma_start3A_307 : memref<1x64xf32, #tpu.memory_space<hbm>> -> memref<64xf32, #tpu.memory_space<hbm>>
      %dma_start3A_309 = arith.constant 0 : i32
      %dma_start3A_310 = tpu.memref_slice %arg7[%add3A_302, %dma_start3A_309] : memref<256x64xf32, #tpu.memory_space<vmem>> -> memref<1x64xf32, #tpu.memory_space<vmem>>
      %dma_start3A_311 = tpu.memref_squeeze %dma_start3A_310 : memref<1x64xf32, #tpu.memory_space<vmem>> -> memref<64xf32, #tpu.memory_space<vmem>>
      %dma_start3A_312 = arith.constant 0 : i32
      %dma_start3A_313 = tpu.memref_slice %arg3[%squeeze3A_298, %dma_start3A_312] : memref<1000000x64xf32, #tpu.memory_space<hbm>> -> memref<1x64xf32, #tpu.memory_space<hbm>>
      %dma_start3A_314 = tpu.memref_squeeze %dma_start3A_313 : memref<1x64xf32, #tpu.memory_space<hbm>> -> memref<64xf32, #tpu.memory_space<hbm>>
      tpu.enqueue_dma source(%dma_start3A_314 : memref<64xf32, #tpu.memory_space<hbm>>) target(%dma_start3A_311 : memref<64xf32, #tpu.memory_space<vmem>>) target_semaphore(%arg9 : memref<!tpu.dma_semaphore, #tpu.memory_space<semaphore_mem>>)
      %slice3A_315 = vector.extract_strided_slice %get3A_47 {offsets = [15], sizes = [1], strides = [1]} : vector<16xi32> to vector<1xi32>
      %squeeze3A_316 = vector.extract %slice3A_315[0] : i32 from vector<1xi32>
      %mul3A_317 = arith.constant 16 : i32
      %mul3A_318 = arith.muli %scan3A_41, %mul3A_317 : i32
      %add3A_319 = arith.constant 15 : i32
      %add3A_320 = arith.addi %mul3A_318, %add3A_319 : i32
      %dma_start3A_321 = arith.constant 0 : i32
      %dma_start3A_322 = tpu.memref_slice %arg7[%add3A_320, %dma_start3A_321] : memref<256x64xf32, #tpu.memory_space<vmem>> -> memref<1x64xf32, #tpu.memory_space<vmem>>
      %dma_start3A_323 = tpu.memref_squeeze %dma_start3A_322 : memref<1x64xf32, #tpu.memory_space<vmem>> -> memref<64xf32, #tpu.memory_space<vmem>>
      %dma_start3A_324 = arith.constant 0 : i32
      %dma_start3A_325 = tpu.memref_slice %arg3[%squeeze3A_316, %dma_start3A_324] : memref<1000000x64xf32, #tpu.memory_space<hbm>> -> memref<1x64xf32, #tpu.memory_space<hbm>>
      %dma_start3A_326 = tpu.memref_squeeze %dma_start3A_325 : memref<1x64xf32, #tpu.memory_space<hbm>> -> memref<64xf32, #tpu.memory_space<hbm>>
      %dma_start3A_327 = arith.constant 0 : i32
      %dma_start3A_328 = tpu.memref_slice %arg7[%add3A_320, %dma_start3A_327] : memref<256x64xf32, #tpu.memory_space<vmem>> -> memref<1x64xf32, #tpu.memory_space<vmem>>
      %dma_start3A_329 = tpu.memref_squeeze %dma_start3A_328 : memref<1x64xf32, #tpu.memory_space<vmem>> -> memref<64xf32, #tpu.memory_space<vmem>>
      %dma_start3A_330 = arith.constant 0 : i32
      %dma_start3A_331 = tpu.memref_slice %arg3[%squeeze3A_316, %dma_start3A_330] : memref<1000000x64xf32, #tpu.memory_space<hbm>> -> memref<1x64xf32, #tpu.memory_space<hbm>>
      %dma_start3A_332 = tpu.memref_squeeze %dma_start3A_331 : memref<1x64xf32, #tpu.memory_space<hbm>> -> memref<64xf32, #tpu.memory_space<hbm>>
      tpu.enqueue_dma source(%dma_start3A_332 : memref<64xf32, #tpu.memory_space<hbm>>) target(%dma_start3A_329 : memref<64xf32, #tpu.memory_space<vmem>>) target_semaphore(%arg9 : memref<!tpu.dma_semaphore, #tpu.memory_space<semaphore_mem>>)
    }
    %scan3A_9 = arith.constant 16 : i32
    "tpu.region"() ({
      %run_scoped3A = tpu.sem_alloc : memref<!tpu.dma_semaphore, #tpu.memory_space<semaphore_mem>>
      %dma_start3A = arith.constant 0 : i32
      %dma_start3A_41 = tpu.memref_slice %arg4[%add3A_4, %dma_start3A] : memref<16384x64xf32, #tpu.memory_space<hbm>> -> memref<256x64xf32, #tpu.memory_space<hbm>>
      %dma_start3A_42 = arith.constant 0 : i32
      %dma_start3A_43 = tpu.memref_slice %arg4[%add3A_4, %dma_start3A_42] : memref<16384x64xf32, #tpu.memory_space<hbm>> -> memref<256x64xf32, #tpu.memory_space<hbm>>
      tpu.enqueue_dma source(%dma_start3A_43 : memref<256x64xf32, #tpu.memory_space<hbm>>) target(%arg8 : memref<256x64xf32, #tpu.memory_space<vmem>>) target_semaphore(%run_scoped3A : memref<!tpu.dma_semaphore, #tpu.memory_space<semaphore_mem>>)
      %dma_wait3A_44 = arith.constant 0 : i32
      %dma_wait3A_45 = tpu.memref_slice %arg4[%add3A_4, %dma_wait3A_44] : memref<16384x64xf32, #tpu.memory_space<hbm>> -> memref<256x64xf32, #tpu.memory_space<hbm>>
      %dma_wait3A_46 = arith.constant 0 : i32
      %dma_wait3A_47 = tpu.memref_slice %arg4[%add3A_4, %dma_wait3A_46] : memref<16384x64xf32, #tpu.memory_space<hbm>> -> memref<256x64xf32, #tpu.memory_space<hbm>>
      tpu.wait_dma2 semaphore(%run_scoped3A : memref<!tpu.dma_semaphore, #tpu.memory_space<semaphore_mem>>) src(%dma_wait3A_47 : memref<256x64xf32, #tpu.memory_space<hbm>>) dst(%arg8 : memref<256x64xf32, #tpu.memory_space<vmem>>)
      tpu.yield
    }) : () -> ()
    %dma_wait3A = arith.constant 0 : i32
    %dma_wait3A_10 = arith.constant 0 : i32
    %dma_wait3A_11 = tpu.memref_slice %arg3[%dma_wait3A, %dma_wait3A_10] : memref<1000000x64xf32, #tpu.memory_space<hbm>> -> memref<256x64xf32, #tpu.memory_space<hbm>>
    %dma_wait3A_12 = arith.constant 0 : i32
    %dma_wait3A_13 = arith.constant 0 : i32
    %dma_wait3A_14 = tpu.memref_slice %arg3[%dma_wait3A_12, %dma_wait3A_13] : memref<1000000x64xf32, #tpu.memory_space<hbm>> -> memref<256x64xf32, #tpu.memory_space<hbm>>
    tpu.wait_dma2 semaphore(%arg9 : memref<!tpu.dma_semaphore, #tpu.memory_space<semaphore_mem>>) src(%dma_wait3A_14 : memref<256x64xf32, #tpu.memory_space<hbm>>) dst(%arg7 : memref<256x64xf32, #tpu.memory_space<vmem>>)
    %scan3A_15 = arith.constant 0 : i32
    %scan3A_16 = arith.constant 0 : i32
    %scan3A_17 = arith.constant 256 : i32
    %scan3A_18 = arith.addi %scan3A_16, %scan3A_17 : i32
    %scan3A_19 = arith.constant 4 : i32
    scf.for %scan3A_41 = %scan3A_16 to %scan3A_18 step %scan3A_19  : i32 {
      %get3A = arith.index_cast %scan3A_41 : i32 to index
      %get3A_42 = arith.constant 0 : index
      %get3A_43 = tpu.vector_load %arg7[%get3A, %get3A_42] {strides = array<i32>} : memref<256x64xf32, #tpu.memory_space<vmem>>, vector<1x16xf32>,
      %get3A_44 = vector.shape_cast %get3A_43 : vector<1x16xf32> to vector<16xf32>
      %get3A_45 = arith.index_cast %scan3A_41 : i32 to index
      %get3A_46 = arith.constant 0 : index
      %get3A_47 = tpu.vector_load %arg8[%get3A_45, %get3A_46] {strides = array<i32>} : memref<256x64xf32, #tpu.memory_space<vmem>>, vector<1x16xf32>,
      %get3A_48 = vector.shape_cast %get3A_47 : vector<1x16xf32> to vector<16xf32>
      %add3A_49 = arith.addf %get3A_44, %get3A_48 : vector<16xf32>
      %swap3A = arith.index_cast %scan3A_41 : i32 to index
      %swap3A_50 = arith.constant 0 : index
      %swap3A_51 = tpu.vector_load %arg7[%swap3A, %swap3A_50] {strides = array<i32>} : memref<256x64xf32, #tpu.memory_space<vmem>>, vector<1x16xf32>,
      %swap3A_52 = vector.shape_cast %swap3A_51 : vector<1x16xf32> to vector<16xf32>
      %swap3A_53 = vector.shape_cast %add3A_49 : vector<16xf32> to vector<1x16xf32>
      tpu.vector_store %arg7[%swap3A, %swap3A_50], %swap3A_53 {strides = array<i32>} : memref<256x64xf32, #tpu.memory_space<vmem>>, vector<1x16xf32>,
      %get3A_54 = arith.index_cast %scan3A_41 : i32 to index
      %get3A_55 = arith.constant 16 : index
      %get3A_56 = tpu.vector_load %arg7[%get3A_54, %get3A_55] {strides = array<i32>} : memref<256x64xf32, #tpu.memory_space<vmem>>, vector<1x16xf32>,
      %get3A_57 = vector.shape_cast %get3A_56 : vector<1x16xf32> to vector<16xf32>
      %get3A_58 = arith.index_cast %scan3A_41 : i32 to index
      %get3A_59 = arith.constant 16 : index
      %get3A_60 = tpu.vector_load %arg8[%get3A_58, %get3A_59] {strides = array<i32>} : memref<256x64xf32, #tpu.memory_space<vmem>>, vector<1x16xf32>,
      %get3A_61 = vector.shape_cast %get3A_60 : vector<1x16xf32> to vector<16xf32>
      %add3A_62 = arith.addf %get3A_57, %get3A_61 : vector<16xf32>
      %swap3A_63 = arith.index_cast %scan3A_41 : i32 to index
      %swap3A_64 = arith.constant 16 : index
      %swap3A_65 = tpu.vector_load %arg7[%swap3A_63, %swap3A_64] {strides = array<i32>} : memref<256x64xf32, #tpu.memory_space<vmem>>, vector<1x16xf32>,
      %swap3A_66 = vector.shape_cast %swap3A_65 : vector<1x16xf32> to vector<16xf32>
      %swap3A_67 = vector.shape_cast %add3A_62 : vector<16xf32> to vector<1x16xf32>
      tpu.vector_store %arg7[%swap3A_63, %swap3A_64], %swap3A_67 {strides = array<i32>} : memref<256x64xf32, #tpu.memory_space<vmem>>, vector<1x16xf32>,
      %get3A_68 = arith.index_cast %scan3A_41 : i32 to index
      %get3A_69 = arith.constant 32 : index
      %get3A_70 = tpu.vector_load %arg7[%get3A_68, %get3A_69] {strides = array<i32>} : memref<256x64xf32, #tpu.memory_space<vmem>>, vector<1x16xf32>,
      %get3A_71 = vector.shape_cast %get3A_70 : vector<1x16xf32> to vector<16xf32>
      %get3A_72 = arith.index_cast %scan3A_41 : i32 to index
      %get3A_73 = arith.constant 32 : index
      %get3A_74 = tpu.vector_load %arg8[%get3A_72, %get3A_73] {strides = array<i32>} : memref<256x64xf32, #tpu.memory_space<vmem>>, vector<1x16xf32>,
      %get3A_75 = vector.shape_cast %get3A_74 : vector<1x16xf32> to vector<16xf32>
      %add3A_76 = arith.addf %get3A_71, %get3A_75 : vector<16xf32>
      %swap3A_77 = arith.index_cast %scan3A_41 : i32 to index
      %swap3A_78 = arith.constant 32 : index
      %swap3A_79 = tpu.vector_load %arg7[%swap3A_77, %swap3A_78] {strides = array<i32>} : memref<256x64xf32, #tpu.memory_space<vmem>>, vector<1x16xf32>,
      %swap3A_80 = vector.shape_cast %swap3A_79 : vector<1x16xf32> to vector<16xf32>
      %swap3A_81 = vector.shape_cast %add3A_76 : vector<16xf32> to vector<1x16xf32>
      tpu.vector_store %arg7[%swap3A_77, %swap3A_78], %swap3A_81 {strides = array<i32>} : memref<256x64xf32, #tpu.memory_space<vmem>>, vector<1x16xf32>,
      %get3A_82 = arith.index_cast %scan3A_41 : i32 to index
      %get3A_83 = arith.constant 48 : index
      %get3A_84 = tpu.vector_load %arg7[%get3A_82, %get3A_83] {strides = array<i32>} : memref<256x64xf32, #tpu.memory_space<vmem>>, vector<1x16xf32>,
      %get3A_85 = vector.shape_cast %get3A_84 : vector<1x16xf32> to vector<16xf32>
      %get3A_86 = arith.index_cast %scan3A_41 : i32 to index
      %get3A_87 = arith.constant 48 : index
      %get3A_88 = tpu.vector_load %arg8[%get3A_86, %get3A_87] {strides = array<i32>} : memref<256x64xf32, #tpu.memory_space<vmem>>, vector<1x16xf32>,
      %get3A_89 = vector.shape_cast %get3A_88 : vector<1x16xf32> to vector<16xf32>
      %add3A_90 = arith.addf %get3A_85, %get3A_89 : vector<16xf32>
      %swap3A_91 = arith.index_cast %scan3A_41 : i32 to index
      %swap3A_92 = arith.constant 48 : index
      %swap3A_93 = tpu.vector_load %arg7[%swap3A_91, %swap3A_92] {strides = array<i32>} : memref<256x64xf32, #tpu.memory_space<vmem>>, vector<1x16xf32>,
      %swap3A_94 = vector.shape_cast %swap3A_93 : vector<1x16xf32> to vector<16xf32>
      %swap3A_95 = vector.shape_cast %add3A_90 : vector<16xf32> to vector<1x16xf32>
      tpu.vector_store %arg7[%swap3A_91, %swap3A_92], %swap3A_95 {strides = array<i32>} : memref<256x64xf32, #tpu.memory_space<vmem>>, vector<1x16xf32>,
      %scan3A_96 = arith.constant 1 : i32
      %scan3A_97 = arith.addi %scan3A_41, %scan3A_96 : i32
      %get3A_98 = arith.index_cast %scan3A_97 : i32 to index
      %get3A_99 = arith.constant 0 : index
      %get3A_100 = tpu.vector_load %arg7[%get3A_98, %get3A_99] {strides = array<i32>} : memref<256x64xf32, #tpu.memory_space<vmem>>, vector<1x16xf32>,
      %get3A_101 = vector.shape_cast %get3A_100 : vector<1x16xf32> to vector<16xf32>
      %get3A_102 = arith.index_cast %scan3A_97 : i32 to index
      %get3A_103 = arith.constant 0 : index
      %get3A_104 = tpu.vector_load %arg8[%get3A_102, %get3A_103] {strides = array<i32>} : memref<256x64xf32, #tpu.memory_space<vmem>>, vector<1x16xf32>,
      %get3A_105 = vector.shape_cast %get3A_104 : vector<1x16xf32> to vector<16xf32>
      %add3A_106 = arith.addf %get3A_101, %get3A_105 : vector<16xf32>
      %swap3A_107 = arith.index_cast %scan3A_97 : i32 to index
      %swap3A_108 = arith.constant 0 : index
      %swap3A_109 = tpu.vector_load %arg7[%swap3A_107, %swap3A_108] {strides = array<i32>} : memref<256x64xf32, #tpu.memory_space<vmem>>, vector<1x16xf32>,
      %swap3A_110 = vector.shape_cast %swap3A_109 : vector<1x16xf32> to vector<16xf32>
      %swap3A_111 = vector.shape_cast %add3A_106 : vector<16xf32> to vector<1x16xf32>
      tpu.vector_store %arg7[%swap3A_107, %swap3A_108], %swap3A_111 {strides = array<i32>} : memref<256x64xf32, #tpu.memory_space<vmem>>, vector<1x16xf32>,
      %get3A_112 = arith.index_cast %scan3A_97 : i32 to index
      %get3A_113 = arith.constant 16 : index
      %get3A_114 = tpu.vector_load %arg7[%get3A_112, %get3A_113] {strides = array<i32>} : memref<256x64xf32, #tpu.memory_space<vmem>>, vector<1x16xf32>,
      %get3A_115 = vector.shape_cast %get3A_114 : vector<1x16xf32> to vector<16xf32>
      %get3A_116 = arith.index_cast %scan3A_97 : i32 to index
      %get3A_117 = arith.constant 16 : index
      %get3A_118 = tpu.vector_load %arg8[%get3A_116, %get3A_117] {strides = array<i32>} : memref<256x64xf32, #tpu.memory_space<vmem>>, vector<1x16xf32>,
      %get3A_119 = vector.shape_cast %get3A_118 : vector<1x16xf32> to vector<16xf32>
      %add3A_120 = arith.addf %get3A_115, %get3A_119 : vector<16xf32>
      %swap3A_121 = arith.index_cast %scan3A_97 : i32 to index
      %swap3A_122 = arith.constant 16 : index
      %swap3A_123 = tpu.vector_load %arg7[%swap3A_121, %swap3A_122] {strides = array<i32>} : memref<256x64xf32, #tpu.memory_space<vmem>>, vector<1x16xf32>,
      %swap3A_124 = vector.shape_cast %swap3A_123 : vector<1x16xf32> to vector<16xf32>
      %swap3A_125 = vector.shape_cast %add3A_120 : vector<16xf32> to vector<1x16xf32>
      tpu.vector_store %arg7[%swap3A_121, %swap3A_122], %swap3A_125 {strides = array<i32>} : memref<256x64xf32, #tpu.memory_space<vmem>>, vector<1x16xf32>,
      %get3A_126 = arith.index_cast %scan3A_97 : i32 to index
      %get3A_127 = arith.constant 32 : index
      %get3A_128 = tpu.vector_load %arg7[%get3A_126, %get3A_127] {strides = array<i32>} : memref<256x64xf32, #tpu.memory_space<vmem>>, vector<1x16xf32>,
      %get3A_129 = vector.shape_cast %get3A_128 : vector<1x16xf32> to vector<16xf32>
      %get3A_130 = arith.index_cast %scan3A_97 : i32 to index
      %get3A_131 = arith.constant 32 : index
      %get3A_132 = tpu.vector_load %arg8[%get3A_130, %get3A_131] {strides = array<i32>} : memref<256x64xf32, #tpu.memory_space<vmem>>, vector<1x16xf32>,
      %get3A_133 = vector.shape_cast %get3A_132 : vector<1x16xf32> to vector<16xf32>
      %add3A_134 = arith.addf %get3A_129, %get3A_133 : vector<16xf32>
      %swap3A_135 = arith.index_cast %scan3A_97 : i32 to index
      %swap3A_136 = arith.constant 32 : index
      %swap3A_137 = tpu.vector_load %arg7[%swap3A_135, %swap3A_136] {strides = array<i32>} : memref<256x64xf32, #tpu.memory_space<vmem>>, vector<1x16xf32>,
      %swap3A_138 = vector.shape_cast %swap3A_137 : vector<1x16xf32> to vector<16xf32>
      %swap3A_139 = vector.shape_cast %add3A_134 : vector<16xf32> to vector<1x16xf32>
      tpu.vector_store %arg7[%swap3A_135, %swap3A_136], %swap3A_139 {strides = array<i32>} : memref<256x64xf32, #tpu.memory_space<vmem>>, vector<1x16xf32>,
      %get3A_140 = arith.index_cast %scan3A_97 : i32 to index
      %get3A_141 = arith.constant 48 : index
      %get3A_142 = tpu.vector_load %arg7[%get3A_140, %get3A_141] {strides = array<i32>} : memref<256x64xf32, #tpu.memory_space<vmem>>, vector<1x16xf32>,
      %get3A_143 = vector.shape_cast %get3A_142 : vector<1x16xf32> to vector<16xf32>
      %get3A_144 = arith.index_cast %scan3A_97 : i32 to index
      %get3A_145 = arith.constant 48 : index
      %get3A_146 = tpu.vector_load %arg8[%get3A_144, %get3A_145] {strides = array<i32>} : memref<256x64xf32, #tpu.memory_space<vmem>>, vector<1x16xf32>,
      %get3A_147 = vector.shape_cast %get3A_146 : vector<1x16xf32> to vector<16xf32>
      %add3A_148 = arith.addf %get3A_143, %get3A_147 : vector<16xf32>
      %swap3A_149 = arith.index_cast %scan3A_97 : i32 to index
      %swap3A_150 = arith.constant 48 : index
      %swap3A_151 = tpu.vector_load %arg7[%swap3A_149, %swap3A_150] {strides = array<i32>} : memref<256x64xf32, #tpu.memory_space<vmem>>, vector<1x16xf32>,
      %swap3A_152 = vector.shape_cast %swap3A_151 : vector<1x16xf32> to vector<16xf32>
      %swap3A_153 = vector.shape_cast %add3A_148 : vector<16xf32> to vector<1x16xf32>
      tpu.vector_store %arg7[%swap3A_149, %swap3A_150], %swap3A_153 {strides = array<i32>} : memref<256x64xf32, #tpu.memory_space<vmem>>, vector<1x16xf32>,
      %scan3A_154 = arith.constant 2 : i32
      %scan3A_155 = arith.addi %scan3A_41, %scan3A_154 : i32
      %get3A_156 = arith.index_cast %scan3A_155 : i32 to index
      %get3A_157 = arith.constant 0 : index
      %get3A_158 = tpu.vector_load %arg7[%get3A_156, %get3A_157] {strides = array<i32>} : memref<256x64xf32, #tpu.memory_space<vmem>>, vector<1x16xf32>,
      %get3A_159 = vector.shape_cast %get3A_158 : vector<1x16xf32> to vector<16xf32>
      %get3A_160 = arith.index_cast %scan3A_155 : i32 to index
      %get3A_161 = arith.constant 0 : index
      %get3A_162 = tpu.vector_load %arg8[%get3A_160, %get3A_161] {strides = array<i32>} : memref<256x64xf32, #tpu.memory_space<vmem>>, vector<1x16xf32>,
      %get3A_163 = vector.shape_cast %get3A_162 : vector<1x16xf32> to vector<16xf32>
      %add3A_164 = arith.addf %get3A_159, %get3A_163 : vector<16xf32>
      %swap3A_165 = arith.index_cast %scan3A_155 : i32 to index
      %swap3A_166 = arith.constant 0 : index
      %swap3A_167 = tpu.vector_load %arg7[%swap3A_165, %swap3A_166] {strides = array<i32>} : memref<256x64xf32, #tpu.memory_space<vmem>>, vector<1x16xf32>,
      %swap3A_168 = vector.shape_cast %swap3A_167 : vector<1x16xf32> to vector<16xf32>
      %swap3A_169 = vector.shape_cast %add3A_164 : vector<16xf32> to vector<1x16xf32>
      tpu.vector_store %arg7[%swap3A_165, %swap3A_166], %swap3A_169 {strides = array<i32>} : memref<256x64xf32, #tpu.memory_space<vmem>>, vector<1x16xf32>,
      %get3A_170 = arith.index_cast %scan3A_155 : i32 to index
      %get3A_171 = arith.constant 16 : index
      %get3A_172 = tpu.vector_load %arg7[%get3A_170, %get3A_171] {strides = array<i32>} : memref<256x64xf32, #tpu.memory_space<vmem>>, vector<1x16xf32>,
      %get3A_173 = vector.shape_cast %get3A_172 : vector<1x16xf32> to vector<16xf32>
      %get3A_174 = arith.index_cast %scan3A_155 : i32 to index
      %get3A_175 = arith.constant 16 : index
      %get3A_176 = tpu.vector_load %arg8[%get3A_174, %get3A_175] {strides = array<i32>} : memref<256x64xf32, #tpu.memory_space<vmem>>, vector<1x16xf32>,
      %get3A_177 = vector.shape_cast %get3A_176 : vector<1x16xf32> to vector<16xf32>
      %add3A_178 = arith.addf %get3A_173, %get3A_177 : vector<16xf32>
      %swap3A_179 = arith.index_cast %scan3A_155 : i32 to index
      %swap3A_180 = arith.constant 16 : index
      %swap3A_181 = tpu.vector_load %arg7[%swap3A_179, %swap3A_180] {strides = array<i32>} : memref<256x64xf32, #tpu.memory_space<vmem>>, vector<1x16xf32>,
      %swap3A_182 = vector.shape_cast %swap3A_181 : vector<1x16xf32> to vector<16xf32>
      %swap3A_183 = vector.shape_cast %add3A_178 : vector<16xf32> to vector<1x16xf32>
      tpu.vector_store %arg7[%swap3A_179, %swap3A_180], %swap3A_183 {strides = array<i32>} : memref<256x64xf32, #tpu.memory_space<vmem>>, vector<1x16xf32>,
      %get3A_184 = arith.index_cast %scan3A_155 : i32 to index
      %get3A_185 = arith.constant 32 : index
      %get3A_186 = tpu.vector_load %arg7[%get3A_184, %get3A_185] {strides = array<i32>} : memref<256x64xf32, #tpu.memory_space<vmem>>, vector<1x16xf32>,
      %get3A_187 = vector.shape_cast %get3A_186 : vector<1x16xf32> to vector<16xf32>
      %get3A_188 = arith.index_cast %scan3A_155 : i32 to index
      %get3A_189 = arith.constant 32 : index
      %get3A_190 = tpu.vector_load %arg8[%get3A_188, %get3A_189] {strides = array<i32>} : memref<256x64xf32, #tpu.memory_space<vmem>>, vector<1x16xf32>,
      %get3A_191 = vector.shape_cast %get3A_190 : vector<1x16xf32> to vector<16xf32>
      %add3A_192 = arith.addf %get3A_187, %get3A_191 : vector<16xf32>
      %swap3A_193 = arith.index_cast %scan3A_155 : i32 to index
      %swap3A_194 = arith.constant 32 : index
      %swap3A_195 = tpu.vector_load %arg7[%swap3A_193, %swap3A_194] {strides = array<i32>} : memref<256x64xf32, #tpu.memory_space<vmem>>, vector<1x16xf32>,
      %swap3A_196 = vector.shape_cast %swap3A_195 : vector<1x16xf32> to vector<16xf32>
      %swap3A_197 = vector.shape_cast %add3A_192 : vector<16xf32> to vector<1x16xf32>
      tpu.vector_store %arg7[%swap3A_193, %swap3A_194], %swap3A_197 {strides = array<i32>} : memref<256x64xf32, #tpu.memory_space<vmem>>, vector<1x16xf32>,
      %get3A_198 = arith.index_cast %scan3A_155 : i32 to index
      %get3A_199 = arith.constant 48 : index
      %get3A_200 = tpu.vector_load %arg7[%get3A_198, %get3A_199] {strides = array<i32>} : memref<256x64xf32, #tpu.memory_space<vmem>>, vector<1x16xf32>,
      %get3A_201 = vector.shape_cast %get3A_200 : vector<1x16xf32> to vector<16xf32>
      %get3A_202 = arith.index_cast %scan3A_155 : i32 to index
      %get3A_203 = arith.constant 48 : index
      %get3A_204 = tpu.vector_load %arg8[%get3A_202, %get3A_203] {strides = array<i32>} : memref<256x64xf32, #tpu.memory_space<vmem>>, vector<1x16xf32>,
      %get3A_205 = vector.shape_cast %get3A_204 : vector<1x16xf32> to vector<16xf32>
      %add3A_206 = arith.addf %get3A_201, %get3A_205 : vector<16xf32>
      %swap3A_207 = arith.index_cast %scan3A_155 : i32 to index
      %swap3A_208 = arith.constant 48 : index
      %swap3A_209 = tpu.vector_load %arg7[%swap3A_207, %swap3A_208] {strides = array<i32>} : memref<256x64xf32, #tpu.memory_space<vmem>>, vector<1x16xf32>,
      %swap3A_210 = vector.shape_cast %swap3A_209 : vector<1x16xf32> to vector<16xf32>
      %swap3A_211 = vector.shape_cast %add3A_206 : vector<16xf32> to vector<1x16xf32>
      tpu.vector_store %arg7[%swap3A_207, %swap3A_208], %swap3A_211 {strides = array<i32>} : memref<256x64xf32, #tpu.memory_space<vmem>>, vector<1x16xf32>,
      %scan3A_212 = arith.constant 3 : i32
      %scan3A_213 = arith.addi %scan3A_41, %scan3A_212 : i32
      %get3A_214 = arith.index_cast %scan3A_213 : i32 to index
      %get3A_215 = arith.constant 0 : index
      %get3A_216 = tpu.vector_load %arg7[%get3A_214, %get3A_215] {strides = array<i32>} : memref<256x64xf32, #tpu.memory_space<vmem>>, vector<1x16xf32>,
      %get3A_217 = vector.shape_cast %get3A_216 : vector<1x16xf32> to vector<16xf32>
      %get3A_218 = arith.index_cast %scan3A_213 : i32 to index
      %get3A_219 = arith.constant 0 : index
      %get3A_220 = tpu.vector_load %arg8[%get3A_218, %get3A_219] {strides = array<i32>} : memref<256x64xf32, #tpu.memory_space<vmem>>, vector<1x16xf32>,
      %get3A_221 = vector.shape_cast %get3A_220 : vector<1x16xf32> to vector<16xf32>
      %add3A_222 = arith.addf %get3A_217, %get3A_221 : vector<16xf32>
      %swap3A_223 = arith.index_cast %scan3A_213 : i32 to index
      %swap3A_224 = arith.constant 0 : index
      %swap3A_225 = tpu.vector_load %arg7[%swap3A_223, %swap3A_224] {strides = array<i32>} : memref<256x64xf32, #tpu.memory_space<vmem>>, vector<1x16xf32>,
      %swap3A_226 = vector.shape_cast %swap3A_225 : vector<1x16xf32> to vector<16xf32>
      %swap3A_227 = vector.shape_cast %add3A_222 : vector<16xf32> to vector<1x16xf32>
      tpu.vector_store %arg7[%swap3A_223, %swap3A_224], %swap3A_227 {strides = array<i32>} : memref<256x64xf32, #tpu.memory_space<vmem>>, vector<1x16xf32>,
      %get3A_228 = arith.index_cast %scan3A_213 : i32 to index
      %get3A_229 = arith.constant 16 : index
      %get3A_230 = tpu.vector_load %arg7[%get3A_228, %get3A_229] {strides = array<i32>} : memref<256x64xf32, #tpu.memory_space<vmem>>, vector<1x16xf32>,
      %get3A_231 = vector.shape_cast %get3A_230 : vector<1x16xf32> to vector<16xf32>
      %get3A_232 = arith.index_cast %scan3A_213 : i32 to index
      %get3A_233 = arith.constant 16 : index
      %get3A_234 = tpu.vector_load %arg8[%get3A_232, %get3A_233] {strides = array<i32>} : memref<256x64xf32, #tpu.memory_space<vmem>>, vector<1x16xf32>,
      %get3A_235 = vector.shape_cast %get3A_234 : vector<1x16xf32> to vector<16xf32>
      %add3A_236 = arith.addf %get3A_231, %get3A_235 : vector<16xf32>
      %swap3A_237 = arith.index_cast %scan3A_213 : i32 to index
      %swap3A_238 = arith.constant 16 : index
      %swap3A_239 = tpu.vector_load %arg7[%swap3A_237, %swap3A_238] {strides = array<i32>} : memref<256x64xf32, #tpu.memory_space<vmem>>, vector<1x16xf32>,
      %swap3A_240 = vector.shape_cast %swap3A_239 : vector<1x16xf32> to vector<16xf32>
      %swap3A_241 = vector.shape_cast %add3A_236 : vector<16xf32> to vector<1x16xf32>
      tpu.vector_store %arg7[%swap3A_237, %swap3A_238], %swap3A_241 {strides = array<i32>} : memref<256x64xf32, #tpu.memory_space<vmem>>, vector<1x16xf32>,
      %get3A_242 = arith.index_cast %scan3A_213 : i32 to index
      %get3A_243 = arith.constant 32 : index
      %get3A_244 = tpu.vector_load %arg7[%get3A_242, %get3A_243] {strides = array<i32>} : memref<256x64xf32, #tpu.memory_space<vmem>>, vector<1x16xf32>,
      %get3A_245 = vector.shape_cast %get3A_244 : vector<1x16xf32> to vector<16xf32>
      %get3A_246 = arith.index_cast %scan3A_213 : i32 to index
      %get3A_247 = arith.constant 32 : index
      %get3A_248 = tpu.vector_load %arg8[%get3A_246, %get3A_247] {strides = array<i32>} : memref<256x64xf32, #tpu.memory_space<vmem>>, vector<1x16xf32>,
      %get3A_249 = vector.shape_cast %get3A_248 : vector<1x16xf32> to vector<16xf32>
      %add3A_250 = arith.addf %get3A_245, %get3A_249 : vector<16xf32>
      %swap3A_251 = arith.index_cast %scan3A_213 : i32 to index
      %swap3A_252 = arith.constant 32 : index
      %swap3A_253 = tpu.vector_load %arg7[%swap3A_251, %swap3A_252] {strides = array<i32>} : memref<256x64xf32, #tpu.memory_space<vmem>>, vector<1x16xf32>,
      %swap3A_254 = vector.shape_cast %swap3A_253 : vector<1x16xf32> to vector<16xf32>
      %swap3A_255 = vector.shape_cast %add3A_250 : vector<16xf32> to vector<1x16xf32>
      tpu.vector_store %arg7[%swap3A_251, %swap3A_252], %swap3A_255 {strides = array<i32>} : memref<256x64xf32, #tpu.memory_space<vmem>>, vector<1x16xf32>,
      %get3A_256 = arith.index_cast %scan3A_213 : i32 to index
      %get3A_257 = arith.constant 48 : index
      %get3A_258 = tpu.vector_load %arg7[%get3A_256, %get3A_257] {strides = array<i32>} : memref<256x64xf32, #tpu.memory_space<vmem>>, vector<1x16xf32>,
      %get3A_259 = vector.shape_cast %get3A_258 : vector<1x16xf32> to vector<16xf32>
      %get3A_260 = arith.index_cast %scan3A_213 : i32 to index
      %get3A_261 = arith.constant 48 : index
      %get3A_262 = tpu.vector_load %arg8[%get3A_260, %get3A_261] {strides = array<i32>} : memref<256x64xf32, #tpu.memory_space<vmem>>, vector<1x16xf32>,
      %get3A_263 = vector.shape_cast %get3A_262 : vector<1x16xf32> to vector<16xf32>
      %add3A_264 = arith.addf %get3A_259, %get3A_263 : vector<16xf32>
      %swap3A_265 = arith.index_cast %scan3A_213 : i32 to index
      %swap3A_266 = arith.constant 48 : index
      %swap3A_267 = tpu.vector_load %arg7[%swap3A_265, %swap3A_266] {strides = array<i32>} : memref<256x64xf32, #tpu.memory_space<vmem>>, vector<1x16xf32>,
      %swap3A_268 = vector.shape_cast %swap3A_267 : vector<1x16xf32> to vector<16xf32>
      %swap3A_269 = vector.shape_cast %add3A_264 : vector<16xf32> to vector<1x16xf32>
      tpu.vector_store %arg7[%swap3A_265, %swap3A_266], %swap3A_269 {strides = array<i32>} : memref<256x64xf32, #tpu.memory_space<vmem>>, vector<1x16xf32>,
    }
    %scan3A_20 = arith.constant 256 : i32
    "tpu.region"() ({
      %run_scoped3A = tpu.sem_alloc : memref<!tpu.dma_semaphore, #tpu.memory_space<semaphore_mem>>
      %dma_start3A = arith.constant 0 : i32
      %dma_start3A_41 = tpu.memref_slice %arg5[%add3A_4, %dma_start3A] : memref<16384x64xf32, #tpu.memory_space<hbm>> -> memref<256x64xf32, #tpu.memory_space<hbm>>
      %dma_start3A_42 = arith.constant 0 : i32
      %dma_start3A_43 = tpu.memref_slice %arg5[%add3A_4, %dma_start3A_42] : memref<16384x64xf32, #tpu.memory_space<hbm>> -> memref<256x64xf32, #tpu.memory_space<hbm>>
      tpu.enqueue_dma source(%arg7 : memref<256x64xf32, #tpu.memory_space<vmem>>) target(%dma_start3A_43 : memref<256x64xf32, #tpu.memory_space<hbm>>) target_semaphore(%run_scoped3A : memref<!tpu.dma_semaphore, #tpu.memory_space<semaphore_mem>>)
      %dma_wait3A_44 = arith.constant 0 : i32
      %dma_wait3A_45 = tpu.memref_slice %arg5[%add3A_4, %dma_wait3A_44] : memref<16384x64xf32, #tpu.memory_space<hbm>> -> memref<256x64xf32, #tpu.memory_space<hbm>>
      %dma_wait3A_46 = arith.constant 0 : i32
      %dma_wait3A_47 = tpu.memref_slice %arg5[%add3A_4, %dma_wait3A_46] : memref<16384x64xf32, #tpu.memory_space<hbm>> -> memref<256x64xf32, #tpu.memory_space<hbm>>
      tpu.wait_dma2 semaphore(%run_scoped3A : memref<!tpu.dma_semaphore, #tpu.memory_space<semaphore_mem>>) src(%arg7 : memref<256x64xf32, #tpu.memory_space<vmem>>) dst(%dma_wait3A_47 : memref<256x64xf32, #tpu.memory_space<hbm>>)
      tpu.yield
    }) : () -> ()
    %add3A_21 = arith.constant 256 : i32
    %add3A_22 = arith.addi %mul3A_2, %add3A_21 : i32
    %scan3A_23 = arith.constant 0 : i32
    %scan3A_24 = arith.constant 0 : i32
    %scan3A_25 = arith.constant 16 : i32
    %scan3A_26 = arith.addi %scan3A_24, %scan3A_25 : i32
    %scan3A_27 = arith.constant 1 : i32
    scf.for %scan3A_41 = %scan3A_24 to %scan3A_26 step %scan3A_27  : i32 {
      %mul3A_42 = arith.constant 16 : i32
      %mul3A_43 = arith.muli %scan3A_41, %mul3A_42 : i32
      %add3A_44 = arith.constant 256 : i32
      %add3A_45 = arith.addi %add3A_44, %mul3A_43 : i32
      %get3A = arith.index_cast %add3A_45 : i32 to index
      %get3A_46 = tpu.vector_load %arg6[%get3A] {strides = array<i32>} : memref<512xi32, #tpu.memory_space<vmem>>, vector<16xi32>,
      %get3A_47 = vector.shape_cast %get3A_46 : vector<16xi32> to vector<16xi32>
      %slice3A = vector.extract_strided_slice %get3A_47 {offsets = [0], sizes = [1], strides = [1]} : vector<16xi32> to vector<1xi32>
      %squeeze3A = vector.extract %slice3A[0] : i32 from vector<1xi32>
      %mul3A_48 = arith.constant 16 : i32
      %mul3A_49 = arith.muli %scan3A_41, %mul3A_48 : i32
      %add3A_50 = arith.constant 0 : i32
      %add3A_51 = arith.addi %mul3A_49, %add3A_50 : i32
      %dma_start3A = arith.constant 0 : i32
      %dma_start3A_52 = tpu.memref_slice %arg7[%add3A_51, %dma_start3A] : memref<256x64xf32, #tpu.memory_space<vmem>> -> memref<1x64xf32, #tpu.memory_space<vmem>>
      %dma_start3A_53 = tpu.memref_squeeze %dma_start3A_52 : memref<1x64xf32, #tpu.memory_space<vmem>> -> memref<64xf32, #tpu.memory_space<vmem>>
      %dma_start3A_54 = arith.constant 0 : i32
      %dma_start3A_55 = tpu.memref_slice %arg3[%squeeze3A, %dma_start3A_54] : memref<1000000x64xf32, #tpu.memory_space<hbm>> -> memref<1x64xf32, #tpu.memory_space<hbm>>
      %dma_start3A_56 = tpu.memref_squeeze %dma_start3A_55 : memref<1x64xf32, #tpu.memory_space<hbm>> -> memref<64xf32, #tpu.memory_space<hbm>>
      %dma_start3A_57 = arith.constant 0 : i32
      %dma_start3A_58 = tpu.memref_slice %arg7[%add3A_51, %dma_start3A_57] : memref<256x64xf32, #tpu.memory_space<vmem>> -> memref<1x64xf32, #tpu.memory_space<vmem>>
      %dma_start3A_59 = tpu.memref_squeeze %dma_start3A_58 : memref<1x64xf32, #tpu.memory_space<vmem>> -> memref<64xf32, #tpu.memory_space<vmem>>
      %dma_start3A_60 = arith.constant 0 : i32
      %dma_start3A_61 = tpu.memref_slice %arg3[%squeeze3A, %dma_start3A_60] : memref<1000000x64xf32, #tpu.memory_space<hbm>> -> memref<1x64xf32, #tpu.memory_space<hbm>>
      %dma_start3A_62 = tpu.memref_squeeze %dma_start3A_61 : memref<1x64xf32, #tpu.memory_space<hbm>> -> memref<64xf32, #tpu.memory_space<hbm>>
      tpu.enqueue_dma source(%dma_start3A_62 : memref<64xf32, #tpu.memory_space<hbm>>) target(%dma_start3A_59 : memref<64xf32, #tpu.memory_space<vmem>>) target_semaphore(%arg9 : memref<!tpu.dma_semaphore, #tpu.memory_space<semaphore_mem>>)
      %slice3A_63 = vector.extract_strided_slice %get3A_47 {offsets = [1], sizes = [1], strides = [1]} : vector<16xi32> to vector<1xi32>
      %squeeze3A_64 = vector.extract %slice3A_63[0] : i32 from vector<1xi32>
      %mul3A_65 = arith.constant 16 : i32
      %mul3A_66 = arith.muli %scan3A_41, %mul3A_65 : i32
      %add3A_67 = arith.constant 1 : i32
      %add3A_68 = arith.addi %mul3A_66, %add3A_67 : i32
      %dma_start3A_69 = arith.constant 0 : i32
      %dma_start3A_70 = tpu.memref_slice %arg7[%add3A_68, %dma_start3A_69] : memref<256x64xf32, #tpu.memory_space<vmem>> -> memref<1x64xf32, #tpu.memory_space<vmem>>
      %dma_start3A_71 = tpu.memref_squeeze %dma_start3A_70 : memref<1x64xf32, #tpu.memory_space<vmem>> -> memref<64xf32, #tpu.memory_space<vmem>>
      %dma_start3A_72 = arith.constant 0 : i32
      %dma_start3A_73 = tpu.memref_slice %arg3[%squeeze3A_64, %dma_start3A_72] : memref<1000000x64xf32, #tpu.memory_space<hbm>> -> memref<1x64xf32, #tpu.memory_space<hbm>>
      %dma_start3A_74 = tpu.memref_squeeze %dma_start3A_73 : memref<1x64xf32, #tpu.memory_space<hbm>> -> memref<64xf32, #tpu.memory_space<hbm>>
      %dma_start3A_75 = arith.constant 0 : i32
      %dma_start3A_76 = tpu.memref_slice %arg7[%add3A_68, %dma_start3A_75] : memref<256x64xf32, #tpu.memory_space<vmem>> -> memref<1x64xf32, #tpu.memory_space<vmem>>
      %dma_start3A_77 = tpu.memref_squeeze %dma_start3A_76 : memref<1x64xf32, #tpu.memory_space<vmem>> -> memref<64xf32, #tpu.memory_space<vmem>>
      %dma_start3A_78 = arith.constant 0 : i32
      %dma_start3A_79 = tpu.memref_slice %arg3[%squeeze3A_64, %dma_start3A_78] : memref<1000000x64xf32, #tpu.memory_space<hbm>> -> memref<1x64xf32, #tpu.memory_space<hbm>>
      %dma_start3A_80 = tpu.memref_squeeze %dma_start3A_79 : memref<1x64xf32, #tpu.memory_space<hbm>> -> memref<64xf32, #tpu.memory_space<hbm>>
      tpu.enqueue_dma source(%dma_start3A_80 : memref<64xf32, #tpu.memory_space<hbm>>) target(%dma_start3A_77 : memref<64xf32, #tpu.memory_space<vmem>>) target_semaphore(%arg9 : memref<!tpu.dma_semaphore, #tpu.memory_space<semaphore_mem>>)
      %slice3A_81 = vector.extract_strided_slice %get3A_47 {offsets = [2], sizes = [1], strides = [1]} : vector<16xi32> to vector<1xi32>
      %squeeze3A_82 = vector.extract %slice3A_81[0] : i32 from vector<1xi32>
      %mul3A_83 = arith.constant 16 : i32
      %mul3A_84 = arith.muli %scan3A_41, %mul3A_83 : i32
      %add3A_85 = arith.constant 2 : i32
      %add3A_86 = arith.addi %mul3A_84, %add3A_85 : i32
      %dma_start3A_87 = arith.constant 0 : i32
      %dma_start3A_88 = tpu.memref_slice %arg7[%add3A_86, %dma_start3A_87] : memref<256x64xf32, #tpu.memory_space<vmem>> -> memref<1x64xf32, #tpu.memory_space<vmem>>
      %dma_start3A_89 = tpu.memref_squeeze %dma_start3A_88 : memref<1x64xf32, #tpu.memory_space<vmem>> -> memref<64xf32, #tpu.memory_space<vmem>>
      %dma_start3A_90 = arith.constant 0 : i32
      %dma_start3A_91 = tpu.memref_slice %arg3[%squeeze3A_82, %dma_start3A_90] : memref<1000000x64xf32, #tpu.memory_space<hbm>> -> memref<1x64xf32, #tpu.memory_space<hbm>>
      %dma_start3A_92 = tpu.memref_squeeze %dma_start3A_91 : memref<1x64xf32, #tpu.memory_space<hbm>> -> memref<64xf32, #tpu.memory_space<hbm>>
      %dma_start3A_93 = arith.constant 0 : i32
      %dma_start3A_94 = tpu.memref_slice %arg7[%add3A_86, %dma_start3A_93] : memref<256x64xf32, #tpu.memory_space<vmem>> -> memref<1x64xf32, #tpu.memory_space<vmem>>
      %dma_start3A_95 = tpu.memref_squeeze %dma_start3A_94 : memref<1x64xf32, #tpu.memory_space<vmem>> -> memref<64xf32, #tpu.memory_space<vmem>>
      %dma_start3A_96 = arith.constant 0 : i32
      %dma_start3A_97 = tpu.memref_slice %arg3[%squeeze3A_82, %dma_start3A_96] : memref<1000000x64xf32, #tpu.memory_space<hbm>> -> memref<1x64xf32, #tpu.memory_space<hbm>>
      %dma_start3A_98 = tpu.memref_squeeze %dma_start3A_97 : memref<1x64xf32, #tpu.memory_space<hbm>> -> memref<64xf32, #tpu.memory_space<hbm>>
      tpu.enqueue_dma source(%dma_start3A_98 : memref<64xf32, #tpu.memory_space<hbm>>) target(%dma_start3A_95 : memref<64xf32, #tpu.memory_space<vmem>>) target_semaphore(%arg9 : memref<!tpu.dma_semaphore, #tpu.memory_space<semaphore_mem>>)
      %slice3A_99 = vector.extract_strided_slice %get3A_47 {offsets = [3], sizes = [1], strides = [1]} : vector<16xi32> to vector<1xi32>
      %squeeze3A_100 = vector.extract %slice3A_99[0] : i32 from vector<1xi32>
      %mul3A_101 = arith.constant 16 : i32
      %mul3A_102 = arith.muli %scan3A_41, %mul3A_101 : i32
      %add3A_103 = arith.constant 3 : i32
      %add3A_104 = arith.addi %mul3A_102, %add3A_103 : i32
      %dma_start3A_105 = arith.constant 0 : i32
      %dma_start3A_106 = tpu.memref_slice %arg7[%add3A_104, %dma_start3A_105] : memref<256x64xf32, #tpu.memory_space<vmem>> -> memref<1x64xf32, #tpu.memory_space<vmem>>
      %dma_start3A_107 = tpu.memref_squeeze %dma_start3A_106 : memref<1x64xf32, #tpu.memory_space<vmem>> -> memref<64xf32, #tpu.memory_space<vmem>>
      %dma_start3A_108 = arith.constant 0 : i32
      %dma_start3A_109 = tpu.memref_slice %arg3[%squeeze3A_100, %dma_start3A_108] : memref<1000000x64xf32, #tpu.memory_space<hbm>> -> memref<1x64xf32, #tpu.memory_space<hbm>>
      %dma_start3A_110 = tpu.memref_squeeze %dma_start3A_109 : memref<1x64xf32, #tpu.memory_space<hbm>> -> memref<64xf32, #tpu.memory_space<hbm>>
      %dma_start3A_111 = arith.constant 0 : i32
      %dma_start3A_112 = tpu.memref_slice %arg7[%add3A_104, %dma_start3A_111] : memref<256x64xf32, #tpu.memory_space<vmem>> -> memref<1x64xf32, #tpu.memory_space<vmem>>
      %dma_start3A_113 = tpu.memref_squeeze %dma_start3A_112 : memref<1x64xf32, #tpu.memory_space<vmem>> -> memref<64xf32, #tpu.memory_space<vmem>>
      %dma_start3A_114 = arith.constant 0 : i32
      %dma_start3A_115 = tpu.memref_slice %arg3[%squeeze3A_100, %dma_start3A_114] : memref<1000000x64xf32, #tpu.memory_space<hbm>> -> memref<1x64xf32, #tpu.memory_space<hbm>>
      %dma_start3A_116 = tpu.memref_squeeze %dma_start3A_115 : memref<1x64xf32, #tpu.memory_space<hbm>> -> memref<64xf32, #tpu.memory_space<hbm>>
      tpu.enqueue_dma source(%dma_start3A_116 : memref<64xf32, #tpu.memory_space<hbm>>) target(%dma_start3A_113 : memref<64xf32, #tpu.memory_space<vmem>>) target_semaphore(%arg9 : memref<!tpu.dma_semaphore, #tpu.memory_space<semaphore_mem>>)
      %slice3A_117 = vector.extract_strided_slice %get3A_47 {offsets = [4], sizes = [1], strides = [1]} : vector<16xi32> to vector<1xi32>
      %squeeze3A_118 = vector.extract %slice3A_117[0] : i32 from vector<1xi32>
      %mul3A_119 = arith.constant 16 : i32
      %mul3A_120 = arith.muli %scan3A_41, %mul3A_119 : i32
      %add3A_121 = arith.constant 4 : i32
      %add3A_122 = arith.addi %mul3A_120, %add3A_121 : i32
      %dma_start3A_123 = arith.constant 0 : i32
      %dma_start3A_124 = tpu.memref_slice %arg7[%add3A_122, %dma_start3A_123] : memref<256x64xf32, #tpu.memory_space<vmem>> -> memref<1x64xf32, #tpu.memory_space<vmem>>
      %dma_start3A_125 = tpu.memref_squeeze %dma_start3A_124 : memref<1x64xf32, #tpu.memory_space<vmem>> -> memref<64xf32, #tpu.memory_space<vmem>>
      %dma_start3A_126 = arith.constant 0 : i32
      %dma_start3A_127 = tpu.memref_slice %arg3[%squeeze3A_118, %dma_start3A_126] : memref<1000000x64xf32, #tpu.memory_space<hbm>> -> memref<1x64xf32, #tpu.memory_space<hbm>>
      %dma_start3A_128 = tpu.memref_squeeze %dma_start3A_127 : memref<1x64xf32, #tpu.memory_space<hbm>> -> memref<64xf32, #tpu.memory_space<hbm>>
      %dma_start3A_129 = arith.constant 0 : i32
      %dma_start3A_130 = tpu.memref_slice %arg7[%add3A_122, %dma_start3A_129] : memref<256x64xf32, #tpu.memory_space<vmem>> -> memref<1x64xf32, #tpu.memory_space<vmem>>
      %dma_start3A_131 = tpu.memref_squeeze %dma_start3A_130 : memref<1x64xf32, #tpu.memory_space<vmem>> -> memref<64xf32, #tpu.memory_space<vmem>>
      %dma_start3A_132 = arith.constant 0 : i32
      %dma_start3A_133 = tpu.memref_slice %arg3[%squeeze3A_118, %dma_start3A_132] : memref<1000000x64xf32, #tpu.memory_space<hbm>> -> memref<1x64xf32, #tpu.memory_space<hbm>>
      %dma_start3A_134 = tpu.memref_squeeze %dma_start3A_133 : memref<1x64xf32, #tpu.memory_space<hbm>> -> memref<64xf32, #tpu.memory_space<hbm>>
      tpu.enqueue_dma source(%dma_start3A_134 : memref<64xf32, #tpu.memory_space<hbm>>) target(%dma_start3A_131 : memref<64xf32, #tpu.memory_space<vmem>>) target_semaphore(%arg9 : memref<!tpu.dma_semaphore, #tpu.memory_space<semaphore_mem>>)
      %slice3A_135 = vector.extract_strided_slice %get3A_47 {offsets = [5], sizes = [1], strides = [1]} : vector<16xi32> to vector<1xi32>
      %squeeze3A_136 = vector.extract %slice3A_135[0] : i32 from vector<1xi32>
      %mul3A_137 = arith.constant 16 : i32
      %mul3A_138 = arith.muli %scan3A_41, %mul3A_137 : i32
      %add3A_139 = arith.constant 5 : i32
      %add3A_140 = arith.addi %mul3A_138, %add3A_139 : i32
      %dma_start3A_141 = arith.constant 0 : i32
      %dma_start3A_142 = tpu.memref_slice %arg7[%add3A_140, %dma_start3A_141] : memref<256x64xf32, #tpu.memory_space<vmem>> -> memref<1x64xf32, #tpu.memory_space<vmem>>
      %dma_start3A_143 = tpu.memref_squeeze %dma_start3A_142 : memref<1x64xf32, #tpu.memory_space<vmem>> -> memref<64xf32, #tpu.memory_space<vmem>>
      %dma_start3A_144 = arith.constant 0 : i32
      %dma_start3A_145 = tpu.memref_slice %arg3[%squeeze3A_136, %dma_start3A_144] : memref<1000000x64xf32, #tpu.memory_space<hbm>> -> memref<1x64xf32, #tpu.memory_space<hbm>>
      %dma_start3A_146 = tpu.memref_squeeze %dma_start3A_145 : memref<1x64xf32, #tpu.memory_space<hbm>> -> memref<64xf32, #tpu.memory_space<hbm>>
      %dma_start3A_147 = arith.constant 0 : i32
      %dma_start3A_148 = tpu.memref_slice %arg7[%add3A_140, %dma_start3A_147] : memref<256x64xf32, #tpu.memory_space<vmem>> -> memref<1x64xf32, #tpu.memory_space<vmem>>
      %dma_start3A_149 = tpu.memref_squeeze %dma_start3A_148 : memref<1x64xf32, #tpu.memory_space<vmem>> -> memref<64xf32, #tpu.memory_space<vmem>>
      %dma_start3A_150 = arith.constant 0 : i32
      %dma_start3A_151 = tpu.memref_slice %arg3[%squeeze3A_136, %dma_start3A_150] : memref<1000000x64xf32, #tpu.memory_space<hbm>> -> memref<1x64xf32, #tpu.memory_space<hbm>>
      %dma_start3A_152 = tpu.memref_squeeze %dma_start3A_151 : memref<1x64xf32, #tpu.memory_space<hbm>> -> memref<64xf32, #tpu.memory_space<hbm>>
      tpu.enqueue_dma source(%dma_start3A_152 : memref<64xf32, #tpu.memory_space<hbm>>) target(%dma_start3A_149 : memref<64xf32, #tpu.memory_space<vmem>>) target_semaphore(%arg9 : memref<!tpu.dma_semaphore, #tpu.memory_space<semaphore_mem>>)
      %slice3A_153 = vector.extract_strided_slice %get3A_47 {offsets = [6], sizes = [1], strides = [1]} : vector<16xi32> to vector<1xi32>
      %squeeze3A_154 = vector.extract %slice3A_153[0] : i32 from vector<1xi32>
      %mul3A_155 = arith.constant 16 : i32
      %mul3A_156 = arith.muli %scan3A_41, %mul3A_155 : i32
      %add3A_157 = arith.constant 6 : i32
      %add3A_158 = arith.addi %mul3A_156, %add3A_157 : i32
      %dma_start3A_159 = arith.constant 0 : i32
      %dma_start3A_160 = tpu.memref_slice %arg7[%add3A_158, %dma_start3A_159] : memref<256x64xf32, #tpu.memory_space<vmem>> -> memref<1x64xf32, #tpu.memory_space<vmem>>
      %dma_start3A_161 = tpu.memref_squeeze %dma_start3A_160 : memref<1x64xf32, #tpu.memory_space<vmem>> -> memref<64xf32, #tpu.memory_space<vmem>>
      %dma_start3A_162 = arith.constant 0 : i32
      %dma_start3A_163 = tpu.memref_slice %arg3[%squeeze3A_154, %dma_start3A_162] : memref<1000000x64xf32, #tpu.memory_space<hbm>> -> memref<1x64xf32, #tpu.memory_space<hbm>>
      %dma_start3A_164 = tpu.memref_squeeze %dma_start3A_163 : memref<1x64xf32, #tpu.memory_space<hbm>> -> memref<64xf32, #tpu.memory_space<hbm>>
      %dma_start3A_165 = arith.constant 0 : i32
      %dma_start3A_166 = tpu.memref_slice %arg7[%add3A_158, %dma_start3A_165] : memref<256x64xf32, #tpu.memory_space<vmem>> -> memref<1x64xf32, #tpu.memory_space<vmem>>
      %dma_start3A_167 = tpu.memref_squeeze %dma_start3A_166 : memref<1x64xf32, #tpu.memory_space<vmem>> -> memref<64xf32, #tpu.memory_space<vmem>>
      %dma_start3A_168 = arith.constant 0 : i32
      %dma_start3A_169 = tpu.memref_slice %arg3[%squeeze3A_154, %dma_start3A_168] : memref<1000000x64xf32, #tpu.memory_space<hbm>> -> memref<1x64xf32, #tpu.memory_space<hbm>>
      %dma_start3A_170 = tpu.memref_squeeze %dma_start3A_169 : memref<1x64xf32, #tpu.memory_space<hbm>> -> memref<64xf32, #tpu.memory_space<hbm>>
      tpu.enqueue_dma source(%dma_start3A_170 : memref<64xf32, #tpu.memory_space<hbm>>) target(%dma_start3A_167 : memref<64xf32, #tpu.memory_space<vmem>>) target_semaphore(%arg9 : memref<!tpu.dma_semaphore, #tpu.memory_space<semaphore_mem>>)
      %slice3A_171 = vector.extract_strided_slice %get3A_47 {offsets = [7], sizes = [1], strides = [1]} : vector<16xi32> to vector<1xi32>
      %squeeze3A_172 = vector.extract %slice3A_171[0] : i32 from vector<1xi32>
      %mul3A_173 = arith.constant 16 : i32
      %mul3A_174 = arith.muli %scan3A_41, %mul3A_173 : i32
      %add3A_175 = arith.constant 7 : i32
      %add3A_176 = arith.addi %mul3A_174, %add3A_175 : i32
      %dma_start3A_177 = arith.constant 0 : i32
      %dma_start3A_178 = tpu.memref_slice %arg7[%add3A_176, %dma_start3A_177] : memref<256x64xf32, #tpu.memory_space<vmem>> -> memref<1x64xf32, #tpu.memory_space<vmem>>
      %dma_start3A_179 = tpu.memref_squeeze %dma_start3A_178 : memref<1x64xf32, #tpu.memory_space<vmem>> -> memref<64xf32, #tpu.memory_space<vmem>>
      %dma_start3A_180 = arith.constant 0 : i32
      %dma_start3A_181 = tpu.memref_slice %arg3[%squeeze3A_172, %dma_start3A_180] : memref<1000000x64xf32, #tpu.memory_space<hbm>> -> memref<1x64xf32, #tpu.memory_space<hbm>>
      %dma_start3A_182 = tpu.memref_squeeze %dma_start3A_181 : memref<1x64xf32, #tpu.memory_space<hbm>> -> memref<64xf32, #tpu.memory_space<hbm>>
      %dma_start3A_183 = arith.constant 0 : i32
      %dma_start3A_184 = tpu.memref_slice %arg7[%add3A_176, %dma_start3A_183] : memref<256x64xf32, #tpu.memory_space<vmem>> -> memref<1x64xf32, #tpu.memory_space<vmem>>
      %dma_start3A_185 = tpu.memref_squeeze %dma_start3A_184 : memref<1x64xf32, #tpu.memory_space<vmem>> -> memref<64xf32, #tpu.memory_space<vmem>>
      %dma_start3A_186 = arith.constant 0 : i32
      %dma_start3A_187 = tpu.memref_slice %arg3[%squeeze3A_172, %dma_start3A_186] : memref<1000000x64xf32, #tpu.memory_space<hbm>> -> memref<1x64xf32, #tpu.memory_space<hbm>>
      %dma_start3A_188 = tpu.memref_squeeze %dma_start3A_187 : memref<1x64xf32, #tpu.memory_space<hbm>> -> memref<64xf32, #tpu.memory_space<hbm>>
      tpu.enqueue_dma source(%dma_start3A_188 : memref<64xf32, #tpu.memory_space<hbm>>) target(%dma_start3A_185 : memref<64xf32, #tpu.memory_space<vmem>>) target_semaphore(%arg9 : memref<!tpu.dma_semaphore, #tpu.memory_space<semaphore_mem>>)
      %slice3A_189 = vector.extract_strided_slice %get3A_47 {offsets = [8], sizes = [1], strides = [1]} : vector<16xi32> to vector<1xi32>
      %squeeze3A_190 = vector.extract %slice3A_189[0] : i32 from vector<1xi32>
      %mul3A_191 = arith.constant 16 : i32
      %mul3A_192 = arith.muli %scan3A_41, %mul3A_191 : i32
      %add3A_193 = arith.constant 8 : i32
      %add3A_194 = arith.addi %mul3A_192, %add3A_193 : i32
      %dma_start3A_195 = arith.constant 0 : i32
      %dma_start3A_196 = tpu.memref_slice %arg7[%add3A_194, %dma_start3A_195] : memref<256x64xf32, #tpu.memory_space<vmem>> -> memref<1x64xf32, #tpu.memory_space<vmem>>
      %dma_start3A_197 = tpu.memref_squeeze %dma_start3A_196 : memref<1x64xf32, #tpu.memory_space<vmem>> -> memref<64xf32, #tpu.memory_space<vmem>>
      %dma_start3A_198 = arith.constant 0 : i32
      %dma_start3A_199 = tpu.memref_slice %arg3[%squeeze3A_190, %dma_start3A_198] : memref<1000000x64xf32, #tpu.memory_space<hbm>> -> memref<1x64xf32, #tpu.memory_space<hbm>>
      %dma_start3A_200 = tpu.memref_squeeze %dma_start3A_199 : memref<1x64xf32, #tpu.memory_space<hbm>> -> memref<64xf32, #tpu.memory_space<hbm>>
      %dma_start3A_201 = arith.constant 0 : i32
      %dma_start3A_202 = tpu.memref_slice %arg7[%add3A_194, %dma_start3A_201] : memref<256x64xf32, #tpu.memory_space<vmem>> -> memref<1x64xf32, #tpu.memory_space<vmem>>
      %dma_start3A_203 = tpu.memref_squeeze %dma_start3A_202 : memref<1x64xf32, #tpu.memory_space<vmem>> -> memref<64xf32, #tpu.memory_space<vmem>>
      %dma_start3A_204 = arith.constant 0 : i32
      %dma_start3A_205 = tpu.memref_slice %arg3[%squeeze3A_190, %dma_start3A_204] : memref<1000000x64xf32, #tpu.memory_space<hbm>> -> memref<1x64xf32, #tpu.memory_space<hbm>>
      %dma_start3A_206 = tpu.memref_squeeze %dma_start3A_205 : memref<1x64xf32, #tpu.memory_space<hbm>> -> memref<64xf32, #tpu.memory_space<hbm>>
      tpu.enqueue_dma source(%dma_start3A_206 : memref<64xf32, #tpu.memory_space<hbm>>) target(%dma_start3A_203 : memref<64xf32, #tpu.memory_space<vmem>>) target_semaphore(%arg9 : memref<!tpu.dma_semaphore, #tpu.memory_space<semaphore_mem>>)
      %slice3A_207 = vector.extract_strided_slice %get3A_47 {offsets = [9], sizes = [1], strides = [1]} : vector<16xi32> to vector<1xi32>
      %squeeze3A_208 = vector.extract %slice3A_207[0] : i32 from vector<1xi32>
      %mul3A_209 = arith.constant 16 : i32
      %mul3A_210 = arith.muli %scan3A_41, %mul3A_209 : i32
      %add3A_211 = arith.constant 9 : i32
      %add3A_212 = arith.addi %mul3A_210, %add3A_211 : i32
      %dma_start3A_213 = arith.constant 0 : i32
      %dma_start3A_214 = tpu.memref_slice %arg7[%add3A_212, %dma_start3A_213] : memref<256x64xf32, #tpu.memory_space<vmem>> -> memref<1x64xf32, #tpu.memory_space<vmem>>
      %dma_start3A_215 = tpu.memref_squeeze %dma_start3A_214 : memref<1x64xf32, #tpu.memory_space<vmem>> -> memref<64xf32, #tpu.memory_space<vmem>>
      %dma_start3A_216 = arith.constant 0 : i32
      %dma_start3A_217 = tpu.memref_slice %arg3[%squeeze3A_208, %dma_start3A_216] : memref<1000000x64xf32, #tpu.memory_space<hbm>> -> memref<1x64xf32, #tpu.memory_space<hbm>>
      %dma_start3A_218 = tpu.memref_squeeze %dma_start3A_217 : memref<1x64xf32, #tpu.memory_space<hbm>> -> memref<64xf32, #tpu.memory_space<hbm>>
      %dma_start3A_219 = arith.constant 0 : i32
      %dma_start3A_220 = tpu.memref_slice %arg7[%add3A_212, %dma_start3A_219] : memref<256x64xf32, #tpu.memory_space<vmem>> -> memref<1x64xf32, #tpu.memory_space<vmem>>
      %dma_start3A_221 = tpu.memref_squeeze %dma_start3A_220 : memref<1x64xf32, #tpu.memory_space<vmem>> -> memref<64xf32, #tpu.memory_space<vmem>>
      %dma_start3A_222 = arith.constant 0 : i32
      %dma_start3A_223 = tpu.memref_slice %arg3[%squeeze3A_208, %dma_start3A_222] : memref<1000000x64xf32, #tpu.memory_space<hbm>> -> memref<1x64xf32, #tpu.memory_space<hbm>>
      %dma_start3A_224 = tpu.memref_squeeze %dma_start3A_223 : memref<1x64xf32, #tpu.memory_space<hbm>> -> memref<64xf32, #tpu.memory_space<hbm>>
      tpu.enqueue_dma source(%dma_start3A_224 : memref<64xf32, #tpu.memory_space<hbm>>) target(%dma_start3A_221 : memref<64xf32, #tpu.memory_space<vmem>>) target_semaphore(%arg9 : memref<!tpu.dma_semaphore, #tpu.memory_space<semaphore_mem>>)
      %slice3A_225 = vector.extract_strided_slice %get3A_47 {offsets = [10], sizes = [1], strides = [1]} : vector<16xi32> to vector<1xi32>
      %squeeze3A_226 = vector.extract %slice3A_225[0] : i32 from vector<1xi32>
      %mul3A_227 = arith.constant 16 : i32
      %mul3A_228 = arith.muli %scan3A_41, %mul3A_227 : i32
      %add3A_229 = arith.constant 10 : i32
      %add3A_230 = arith.addi %mul3A_228, %add3A_229 : i32
      %dma_start3A_231 = arith.constant 0 : i32
      %dma_start3A_232 = tpu.memref_slice %arg7[%add3A_230, %dma_start3A_231] : memref<256x64xf32, #tpu.memory_space<vmem>> -> memref<1x64xf32, #tpu.memory_space<vmem>>
      %dma_start3A_233 = tpu.memref_squeeze %dma_start3A_232 : memref<1x64xf32, #tpu.memory_space<vmem>> -> memref<64xf32, #tpu.memory_space<vmem>>
      %dma_start3A_234 = arith.constant 0 : i32
      %dma_start3A_235 = tpu.memref_slice %arg3[%squeeze3A_226, %dma_start3A_234] : memref<1000000x64xf32, #tpu.memory_space<hbm>> -> memref<1x64xf32, #tpu.memory_space<hbm>>
      %dma_start3A_236 = tpu.memref_squeeze %dma_start3A_235 : memref<1x64xf32, #tpu.memory_space<hbm>> -> memref<64xf32, #tpu.memory_space<hbm>>
      %dma_start3A_237 = arith.constant 0 : i32
      %dma_start3A_238 = tpu.memref_slice %arg7[%add3A_230, %dma_start3A_237] : memref<256x64xf32, #tpu.memory_space<vmem>> -> memref<1x64xf32, #tpu.memory_space<vmem>>
      %dma_start3A_239 = tpu.memref_squeeze %dma_start3A_238 : memref<1x64xf32, #tpu.memory_space<vmem>> -> memref<64xf32, #tpu.memory_space<vmem>>
      %dma_start3A_240 = arith.constant 0 : i32
      %dma_start3A_241 = tpu.memref_slice %arg3[%squeeze3A_226, %dma_start3A_240] : memref<1000000x64xf32, #tpu.memory_space<hbm>> -> memref<1x64xf32, #tpu.memory_space<hbm>>
      %dma_start3A_242 = tpu.memref_squeeze %dma_start3A_241 : memref<1x64xf32, #tpu.memory_space<hbm>> -> memref<64xf32, #tpu.memory_space<hbm>>
      tpu.enqueue_dma source(%dma_start3A_242 : memref<64xf32, #tpu.memory_space<hbm>>) target(%dma_start3A_239 : memref<64xf32, #tpu.memory_space<vmem>>) target_semaphore(%arg9 : memref<!tpu.dma_semaphore, #tpu.memory_space<semaphore_mem>>)
      %slice3A_243 = vector.extract_strided_slice %get3A_47 {offsets = [11], sizes = [1], strides = [1]} : vector<16xi32> to vector<1xi32>
      %squeeze3A_244 = vector.extract %slice3A_243[0] : i32 from vector<1xi32>
      %mul3A_245 = arith.constant 16 : i32
      %mul3A_246 = arith.muli %scan3A_41, %mul3A_245 : i32
      %add3A_247 = arith.constant 11 : i32
      %add3A_248 = arith.addi %mul3A_246, %add3A_247 : i32
      %dma_start3A_249 = arith.constant 0 : i32
      %dma_start3A_250 = tpu.memref_slice %arg7[%add3A_248, %dma_start3A_249] : memref<256x64xf32, #tpu.memory_space<vmem>> -> memref<1x64xf32, #tpu.memory_space<vmem>>
      %dma_start3A_251 = tpu.memref_squeeze %dma_start3A_250 : memref<1x64xf32, #tpu.memory_space<vmem>> -> memref<64xf32, #tpu.memory_space<vmem>>
      %dma_start3A_252 = arith.constant 0 : i32
      %dma_start3A_253 = tpu.memref_slice %arg3[%squeeze3A_244, %dma_start3A_252] : memref<1000000x64xf32, #tpu.memory_space<hbm>> -> memref<1x64xf32, #tpu.memory_space<hbm>>
      %dma_start3A_254 = tpu.memref_squeeze %dma_start3A_253 : memref<1x64xf32, #tpu.memory_space<hbm>> -> memref<64xf32, #tpu.memory_space<hbm>>
      %dma_start3A_255 = arith.constant 0 : i32
      %dma_start3A_256 = tpu.memref_slice %arg7[%add3A_248, %dma_start3A_255] : memref<256x64xf32, #tpu.memory_space<vmem>> -> memref<1x64xf32, #tpu.memory_space<vmem>>
      %dma_start3A_257 = tpu.memref_squeeze %dma_start3A_256 : memref<1x64xf32, #tpu.memory_space<vmem>> -> memref<64xf32, #tpu.memory_space<vmem>>
      %dma_start3A_258 = arith.constant 0 : i32
      %dma_start3A_259 = tpu.memref_slice %arg3[%squeeze3A_244, %dma_start3A_258] : memref<1000000x64xf32, #tpu.memory_space<hbm>> -> memref<1x64xf32, #tpu.memory_space<hbm>>
      %dma_start3A_260 = tpu.memref_squeeze %dma_start3A_259 : memref<1x64xf32, #tpu.memory_space<hbm>> -> memref<64xf32, #tpu.memory_space<hbm>>
      tpu.enqueue_dma source(%dma_start3A_260 : memref<64xf32, #tpu.memory_space<hbm>>) target(%dma_start3A_257 : memref<64xf32, #tpu.memory_space<vmem>>) target_semaphore(%arg9 : memref<!tpu.dma_semaphore, #tpu.memory_space<semaphore_mem>>)
      %slice3A_261 = vector.extract_strided_slice %get3A_47 {offsets = [12], sizes = [1], strides = [1]} : vector<16xi32> to vector<1xi32>
      %squeeze3A_262 = vector.extract %slice3A_261[0] : i32 from vector<1xi32>
      %mul3A_263 = arith.constant 16 : i32
      %mul3A_264 = arith.muli %scan3A_41, %mul3A_263 : i32
      %add3A_265 = arith.constant 12 : i32
      %add3A_266 = arith.addi %mul3A_264, %add3A_265 : i32
      %dma_start3A_267 = arith.constant 0 : i32
      %dma_start3A_268 = tpu.memref_slice %arg7[%add3A_266, %dma_start3A_267] : memref<256x64xf32, #tpu.memory_space<vmem>> -> memref<1x64xf32, #tpu.memory_space<vmem>>
      %dma_start3A_269 = tpu.memref_squeeze %dma_start3A_268 : memref<1x64xf32, #tpu.memory_space<vmem>> -> memref<64xf32, #tpu.memory_space<vmem>>
      %dma_start3A_270 = arith.constant 0 : i32
      %dma_start3A_271 = tpu.memref_slice %arg3[%squeeze3A_262, %dma_start3A_270] : memref<1000000x64xf32, #tpu.memory_space<hbm>> -> memref<1x64xf32, #tpu.memory_space<hbm>>
      %dma_start3A_272 = tpu.memref_squeeze %dma_start3A_271 : memref<1x64xf32, #tpu.memory_space<hbm>> -> memref<64xf32, #tpu.memory_space<hbm>>
      %dma_start3A_273 = arith.constant 0 : i32
      %dma_start3A_274 = tpu.memref_slice %arg7[%add3A_266, %dma_start3A_273] : memref<256x64xf32, #tpu.memory_space<vmem>> -> memref<1x64xf32, #tpu.memory_space<vmem>>
      %dma_start3A_275 = tpu.memref_squeeze %dma_start3A_274 : memref<1x64xf32, #tpu.memory_space<vmem>> -> memref<64xf32, #tpu.memory_space<vmem>>
      %dma_start3A_276 = arith.constant 0 : i32
      %dma_start3A_277 = tpu.memref_slice %arg3[%squeeze3A_262, %dma_start3A_276] : memref<1000000x64xf32, #tpu.memory_space<hbm>> -> memref<1x64xf32, #tpu.memory_space<hbm>>
      %dma_start3A_278 = tpu.memref_squeeze %dma_start3A_277 : memref<1x64xf32, #tpu.memory_space<hbm>> -> memref<64xf32, #tpu.memory_space<hbm>>
      tpu.enqueue_dma source(%dma_start3A_278 : memref<64xf32, #tpu.memory_space<hbm>>) target(%dma_start3A_275 : memref<64xf32, #tpu.memory_space<vmem>>) target_semaphore(%arg9 : memref<!tpu.dma_semaphore, #tpu.memory_space<semaphore_mem>>)
      %slice3A_279 = vector.extract_strided_slice %get3A_47 {offsets = [13], sizes = [1], strides = [1]} : vector<16xi32> to vector<1xi32>
      %squeeze3A_280 = vector.extract %slice3A_279[0] : i32 from vector<1xi32>
      %mul3A_281 = arith.constant 16 : i32
      %mul3A_282 = arith.muli %scan3A_41, %mul3A_281 : i32
      %add3A_283 = arith.constant 13 : i32
      %add3A_284 = arith.addi %mul3A_282, %add3A_283 : i32
      %dma_start3A_285 = arith.constant 0 : i32
      %dma_start3A_286 = tpu.memref_slice %arg7[%add3A_284, %dma_start3A_285] : memref<256x64xf32, #tpu.memory_space<vmem>> -> memref<1x64xf32, #tpu.memory_space<vmem>>
      %dma_start3A_287 = tpu.memref_squeeze %dma_start3A_286 : memref<1x64xf32, #tpu.memory_space<vmem>> -> memref<64xf32, #tpu.memory_space<vmem>>
      %dma_start3A_288 = arith.constant 0 : i32
      %dma_start3A_289 = tpu.memref_slice %arg3[%squeeze3A_280, %dma_start3A_288] : memref<1000000x64xf32, #tpu.memory_space<hbm>> -> memref<1x64xf32, #tpu.memory_space<hbm>>
      %dma_start3A_290 = tpu.memref_squeeze %dma_start3A_289 : memref<1x64xf32, #tpu.memory_space<hbm>> -> memref<64xf32, #tpu.memory_space<hbm>>
      %dma_start3A_291 = arith.constant 0 : i32
      %dma_start3A_292 = tpu.memref_slice %arg7[%add3A_284, %dma_start3A_291] : memref<256x64xf32, #tpu.memory_space<vmem>> -> memref<1x64xf32, #tpu.memory_space<vmem>>
      %dma_start3A_293 = tpu.memref_squeeze %dma_start3A_292 : memref<1x64xf32, #tpu.memory_space<vmem>> -> memref<64xf32, #tpu.memory_space<vmem>>
      %dma_start3A_294 = arith.constant 0 : i32
      %dma_start3A_295 = tpu.memref_slice %arg3[%squeeze3A_280, %dma_start3A_294] : memref<1000000x64xf32, #tpu.memory_space<hbm>> -> memref<1x64xf32, #tpu.memory_space<hbm>>
      %dma_start3A_296 = tpu.memref_squeeze %dma_start3A_295 : memref<1x64xf32, #tpu.memory_space<hbm>> -> memref<64xf32, #tpu.memory_space<hbm>>
      tpu.enqueue_dma source(%dma_start3A_296 : memref<64xf32, #tpu.memory_space<hbm>>) target(%dma_start3A_293 : memref<64xf32, #tpu.memory_space<vmem>>) target_semaphore(%arg9 : memref<!tpu.dma_semaphore, #tpu.memory_space<semaphore_mem>>)
      %slice3A_297 = vector.extract_strided_slice %get3A_47 {offsets = [14], sizes = [1], strides = [1]} : vector<16xi32> to vector<1xi32>
      %squeeze3A_298 = vector.extract %slice3A_297[0] : i32 from vector<1xi32>
      %mul3A_299 = arith.constant 16 : i32
      %mul3A_300 = arith.muli %scan3A_41, %mul3A_299 : i32
      %add3A_301 = arith.constant 14 : i32
      %add3A_302 = arith.addi %mul3A_300, %add3A_301 : i32
      %dma_start3A_303 = arith.constant 0 : i32
      %dma_start3A_304 = tpu.memref_slice %arg7[%add3A_302, %dma_start3A_303] : memref<256x64xf32, #tpu.memory_space<vmem>> -> memref<1x64xf32, #tpu.memory_space<vmem>>
      %dma_start3A_305 = tpu.memref_squeeze %dma_start3A_304 : memref<1x64xf32, #tpu.memory_space<vmem>> -> memref<64xf32, #tpu.memory_space<vmem>>
      %dma_start3A_306 = arith.constant 0 : i32
      %dma_start3A_307 = tpu.memref_slice %arg3[%squeeze3A_298, %dma_start3A_306] : memref<1000000x64xf32, #tpu.memory_space<hbm>> -> memref<1x64xf32, #tpu.memory_space<hbm>>
      %dma_start3A_308 = tpu.memref_squeeze %dma_start3A_307 : memref<1x64xf32, #tpu.memory_space<hbm>> -> memref<64xf32, #tpu.memory_space<hbm>>
      %dma_start3A_309 = arith.constant 0 : i32
      %dma_start3A_310 = tpu.memref_slice %arg7[%add3A_302, %dma_start3A_309] : memref<256x64xf32, #tpu.memory_space<vmem>> -> memref<1x64xf32, #tpu.memory_space<vmem>>
      %dma_start3A_311 = tpu.memref_squeeze %dma_start3A_310 : memref<1x64xf32, #tpu.memory_space<vmem>> -> memref<64xf32, #tpu.memory_space<vmem>>
      %dma_start3A_312 = arith.constant 0 : i32
      %dma_start3A_313 = tpu.memref_slice %arg3[%squeeze3A_298, %dma_start3A_312] : memref<1000000x64xf32, #tpu.memory_space<hbm>> -> memref<1x64xf32, #tpu.memory_space<hbm>>
      %dma_start3A_314 = tpu.memref_squeeze %dma_start3A_313 : memref<1x64xf32, #tpu.memory_space<hbm>> -> memref<64xf32, #tpu.memory_space<hbm>>
      tpu.enqueue_dma source(%dma_start3A_314 : memref<64xf32, #tpu.memory_space<hbm>>) target(%dma_start3A_311 : memref<64xf32, #tpu.memory_space<vmem>>) target_semaphore(%arg9 : memref<!tpu.dma_semaphore, #tpu.memory_space<semaphore_mem>>)
      %slice3A_315 = vector.extract_strided_slice %get3A_47 {offsets = [15], sizes = [1], strides = [1]} : vector<16xi32> to vector<1xi32>
      %squeeze3A_316 = vector.extract %slice3A_315[0] : i32 from vector<1xi32>
      %mul3A_317 = arith.constant 16 : i32
      %mul3A_318 = arith.muli %scan3A_41, %mul3A_317 : i32
      %add3A_319 = arith.constant 15 : i32
      %add3A_320 = arith.addi %mul3A_318, %add3A_319 : i32
      %dma_start3A_321 = arith.constant 0 : i32
      %dma_start3A_322 = tpu.memref_slice %arg7[%add3A_320, %dma_start3A_321] : memref<256x64xf32, #tpu.memory_space<vmem>> -> memref<1x64xf32, #tpu.memory_space<vmem>>
      %dma_start3A_323 = tpu.memref_squeeze %dma_start3A_322 : memref<1x64xf32, #tpu.memory_space<vmem>> -> memref<64xf32, #tpu.memory_space<vmem>>
      %dma_start3A_324 = arith.constant 0 : i32
      %dma_start3A_325 = tpu.memref_slice %arg3[%squeeze3A_316, %dma_start3A_324] : memref<1000000x64xf32, #tpu.memory_space<hbm>> -> memref<1x64xf32, #tpu.memory_space<hbm>>
      %dma_start3A_326 = tpu.memref_squeeze %dma_start3A_325 : memref<1x64xf32, #tpu.memory_space<hbm>> -> memref<64xf32, #tpu.memory_space<hbm>>
      %dma_start3A_327 = arith.constant 0 : i32
      %dma_start3A_328 = tpu.memref_slice %arg7[%add3A_320, %dma_start3A_327] : memref<256x64xf32, #tpu.memory_space<vmem>> -> memref<1x64xf32, #tpu.memory_space<vmem>>
      %dma_start3A_329 = tpu.memref_squeeze %dma_start3A_328 : memref<1x64xf32, #tpu.memory_space<vmem>> -> memref<64xf32, #tpu.memory_space<vmem>>
      %dma_start3A_330 = arith.constant 0 : i32
      %dma_start3A_331 = tpu.memref_slice %arg3[%squeeze3A_316, %dma_start3A_330] : memref<1000000x64xf32, #tpu.memory_space<hbm>> -> memref<1x64xf32, #tpu.memory_space<hbm>>
      %dma_start3A_332 = tpu.memref_squeeze %dma_start3A_331 : memref<1x64xf32, #tpu.memory_space<hbm>> -> memref<64xf32, #tpu.memory_space<hbm>>
      tpu.enqueue_dma source(%dma_start3A_332 : memref<64xf32, #tpu.memory_space<hbm>>) target(%dma_start3A_329 : memref<64xf32, #tpu.memory_space<vmem>>) target_semaphore(%arg9 : memref<!tpu.dma_semaphore, #tpu.memory_space<semaphore_mem>>)
    }
    %scan3A_28 = arith.constant 16 : i32
    "tpu.region"() ({
      %run_scoped3A = tpu.sem_alloc : memref<!tpu.dma_semaphore, #tpu.memory_space<semaphore_mem>>
      %dma_start3A = arith.constant 0 : i32
      %dma_start3A_41 = tpu.memref_slice %arg4[%add3A_22, %dma_start3A] : memref<16384x64xf32, #tpu.memory_space<hbm>> -> memref<256x64xf32, #tpu.memory_space<hbm>>
      %dma_start3A_42 = arith.constant 0 : i32
      %dma_start3A_43 = tpu.memref_slice %arg4[%add3A_22, %dma_start3A_42] : memref<16384x64xf32, #tpu.memory_space<hbm>> -> memref<256x64xf32, #tpu.memory_space<hbm>>
      tpu.enqueue_dma source(%dma_start3A_43 : memref<256x64xf32, #tpu.memory_space<hbm>>) target(%arg8 : memref<256x64xf32, #tpu.memory_space<vmem>>) target_semaphore(%run_scoped3A : memref<!tpu.dma_semaphore, #tpu.memory_space<semaphore_mem>>)
      %dma_wait3A_44 = arith.constant 0 : i32
      %dma_wait3A_45 = tpu.memref_slice %arg4[%add3A_22, %dma_wait3A_44] : memref<16384x64xf32, #tpu.memory_space<hbm>> -> memref<256x64xf32, #tpu.memory_space<hbm>>
      %dma_wait3A_46 = arith.constant 0 : i32
      %dma_wait3A_47 = tpu.memref_slice %arg4[%add3A_22, %dma_wait3A_46] : memref<16384x64xf32, #tpu.memory_space<hbm>> -> memref<256x64xf32, #tpu.memory_space<hbm>>
      tpu.wait_dma2 semaphore(%run_scoped3A : memref<!tpu.dma_semaphore, #tpu.memory_space<semaphore_mem>>) src(%dma_wait3A_47 : memref<256x64xf32, #tpu.memory_space<hbm>>) dst(%arg8 : memref<256x64xf32, #tpu.memory_space<vmem>>)
      tpu.yield
    }) : () -> ()
    %dma_wait3A_29 = arith.constant 0 : i32
    %dma_wait3A_30 = arith.constant 0 : i32
    %dma_wait3A_31 = tpu.memref_slice %arg3[%dma_wait3A_29, %dma_wait3A_30] : memref<1000000x64xf32, #tpu.memory_space<hbm>> -> memref<256x64xf32, #tpu.memory_space<hbm>>
    %dma_wait3A_32 = arith.constant 0 : i32
    %dma_wait3A_33 = arith.constant 0 : i32
    %dma_wait3A_34 = tpu.memref_slice %arg3[%dma_wait3A_32, %dma_wait3A_33] : memref<1000000x64xf32, #tpu.memory_space<hbm>> -> memref<256x64xf32, #tpu.memory_space<hbm>>
    tpu.wait_dma2 semaphore(%arg9 : memref<!tpu.dma_semaphore, #tpu.memory_space<semaphore_mem>>) src(%dma_wait3A_34 : memref<256x64xf32, #tpu.memory_space<hbm>>) dst(%arg7 : memref<256x64xf32, #tpu.memory_space<vmem>>)
    %scan3A_35 = arith.constant 0 : i32
    %scan3A_36 = arith.constant 0 : i32
    %scan3A_37 = arith.constant 256 : i32
    %scan3A_38 = arith.addi %scan3A_36, %scan3A_37 : i32
    %scan3A_39 = arith.constant 4 : i32
    scf.for %scan3A_41 = %scan3A_36 to %scan3A_38 step %scan3A_39  : i32 {
      %get3A = arith.index_cast %scan3A_41 : i32 to index
      %get3A_42 = arith.constant 0 : index
      %get3A_43 = tpu.vector_load %arg7[%get3A, %get3A_42] {strides = array<i32>} : memref<256x64xf32, #tpu.memory_space<vmem>>, vector<1x16xf32>,
      %get3A_44 = vector.shape_cast %get3A_43 : vector<1x16xf32> to vector<16xf32>
      %get3A_45 = arith.index_cast %scan3A_41 : i32 to index
      %get3A_46 = arith.constant 0 : index
      %get3A_47 = tpu.vector_load %arg8[%get3A_45, %get3A_46] {strides = array<i32>} : memref<256x64xf32, #tpu.memory_space<vmem>>, vector<1x16xf32>,
      %get3A_48 = vector.shape_cast %get3A_47 : vector<1x16xf32> to vector<16xf32>
      %add3A_49 = arith.addf %get3A_44, %get3A_48 : vector<16xf32>
      %swap3A = arith.index_cast %scan3A_41 : i32 to index
      %swap3A_50 = arith.constant 0 : index
      %swap3A_51 = tpu.vector_load %arg7[%swap3A, %swap3A_50] {strides = array<i32>} : memref<256x64xf32, #tpu.memory_space<vmem>>, vector<1x16xf32>,
      %swap3A_52 = vector.shape_cast %swap3A_51 : vector<1x16xf32> to vector<16xf32>
      %swap3A_53 = vector.shape_cast %add3A_49 : vector<16xf32> to vector<1x16xf32>
      tpu.vector_store %arg7[%swap3A, %swap3A_50], %swap3A_53 {strides = array<i32>} : memref<256x64xf32, #tpu.memory_space<vmem>>, vector<1x16xf32>,
      %get3A_54 = arith.index_cast %scan3A_41 : i32 to index
      %get3A_55 = arith.constant 16 : index
      %get3A_56 = tpu.vector_load %arg7[%get3A_54, %get3A_55] {strides = array<i32>} : memref<256x64xf32, #tpu.memory_space<vmem>>, vector<1x16xf32>,
      %get3A_57 = vector.shape_cast %get3A_56 : vector<1x16xf32> to vector<16xf32>
      %get3A_58 = arith.index_cast %scan3A_41 : i32 to index
      %get3A_59 = arith.constant 16 : index
      %get3A_60 = tpu.vector_load %arg8[%get3A_58, %get3A_59] {strides = array<i32>} : memref<256x64xf32, #tpu.memory_space<vmem>>, vector<1x16xf32>,
      %get3A_61 = vector.shape_cast %get3A_60 : vector<1x16xf32> to vector<16xf32>
      %add3A_62 = arith.addf %get3A_57, %get3A_61 : vector<16xf32>
      %swap3A_63 = arith.index_cast %scan3A_41 : i32 to index
      %swap3A_64 = arith.constant 16 : index
      %swap3A_65 = tpu.vector_load %arg7[%swap3A_63, %swap3A_64] {strides = array<i32>} : memref<256x64xf32, #tpu.memory_space<vmem>>, vector<1x16xf32>,
      %swap3A_66 = vector.shape_cast %swap3A_65 : vector<1x16xf32> to vector<16xf32>
      %swap3A_67 = vector.shape_cast %add3A_62 : vector<16xf32> to vector<1x16xf32>
      tpu.vector_store %arg7[%swap3A_63, %swap3A_64], %swap3A_67 {strides = array<i32>} : memref<256x64xf32, #tpu.memory_space<vmem>>, vector<1x16xf32>,
      %get3A_68 = arith.index_cast %scan3A_41 : i32 to index
      %get3A_69 = arith.constant 32 : index
      %get3A_70 = tpu.vector_load %arg7[%get3A_68, %get3A_69] {strides = array<i32>} : memref<256x64xf32, #tpu.memory_space<vmem>>, vector<1x16xf32>,
      %get3A_71 = vector.shape_cast %get3A_70 : vector<1x16xf32> to vector<16xf32>
      %get3A_72 = arith.index_cast %scan3A_41 : i32 to index
      %get3A_73 = arith.constant 32 : index
      %get3A_74 = tpu.vector_load %arg8[%get3A_72, %get3A_73] {strides = array<i32>} : memref<256x64xf32, #tpu.memory_space<vmem>>, vector<1x16xf32>,
      %get3A_75 = vector.shape_cast %get3A_74 : vector<1x16xf32> to vector<16xf32>
      %add3A_76 = arith.addf %get3A_71, %get3A_75 : vector<16xf32>
      %swap3A_77 = arith.index_cast %scan3A_41 : i32 to index
      %swap3A_78 = arith.constant 32 : index
      %swap3A_79 = tpu.vector_load %arg7[%swap3A_77, %swap3A_78] {strides = array<i32>} : memref<256x64xf32, #tpu.memory_space<vmem>>, vector<1x16xf32>,
      %swap3A_80 = vector.shape_cast %swap3A_79 : vector<1x16xf32> to vector<16xf32>
      %swap3A_81 = vector.shape_cast %add3A_76 : vector<16xf32> to vector<1x16xf32>
      tpu.vector_store %arg7[%swap3A_77, %swap3A_78], %swap3A_81 {strides = array<i32>} : memref<256x64xf32, #tpu.memory_space<vmem>>, vector<1x16xf32>,
      %get3A_82 = arith.index_cast %scan3A_41 : i32 to index
      %get3A_83 = arith.constant 48 : index
      %get3A_84 = tpu.vector_load %arg7[%get3A_82, %get3A_83] {strides = array<i32>} : memref<256x64xf32, #tpu.memory_space<vmem>>, vector<1x16xf32>,
      %get3A_85 = vector.shape_cast %get3A_84 : vector<1x16xf32> to vector<16xf32>
      %get3A_86 = arith.index_cast %scan3A_41 : i32 to index
      %get3A_87 = arith.constant 48 : index
      %get3A_88 = tpu.vector_load %arg8[%get3A_86, %get3A_87] {strides = array<i32>} : memref<256x64xf32, #tpu.memory_space<vmem>>, vector<1x16xf32>,
      %get3A_89 = vector.shape_cast %get3A_88 : vector<1x16xf32> to vector<16xf32>
      %add3A_90 = arith.addf %get3A_85, %get3A_89 : vector<16xf32>
      %swap3A_91 = arith.index_cast %scan3A_41 : i32 to index
      %swap3A_92 = arith.constant 48 : index
      %swap3A_93 = tpu.vector_load %arg7[%swap3A_91, %swap3A_92] {strides = array<i32>} : memref<256x64xf32, #tpu.memory_space<vmem>>, vector<1x16xf32>,
      %swap3A_94 = vector.shape_cast %swap3A_93 : vector<1x16xf32> to vector<16xf32>
      %swap3A_95 = vector.shape_cast %add3A_90 : vector<16xf32> to vector<1x16xf32>
      tpu.vector_store %arg7[%swap3A_91, %swap3A_92], %swap3A_95 {strides = array<i32>} : memref<256x64xf32, #tpu.memory_space<vmem>>, vector<1x16xf32>,
      %scan3A_96 = arith.constant 1 : i32
      %scan3A_97 = arith.addi %scan3A_41, %scan3A_96 : i32
      %get3A_98 = arith.index_cast %scan3A_97 : i32 to index
      %get3A_99 = arith.constant 0 : index
      %get3A_100 = tpu.vector_load %arg7[%get3A_98, %get3A_99] {strides = array<i32>} : memref<256x64xf32, #tpu.memory_space<vmem>>, vector<1x16xf32>,
      %get3A_101 = vector.shape_cast %get3A_100 : vector<1x16xf32> to vector<16xf32>
      %get3A_102 = arith.index_cast %scan3A_97 : i32 to index
      %get3A_103 = arith.constant 0 : index
      %get3A_104 = tpu.vector_load %arg8[%get3A_102, %get3A_103] {strides = array<i32>} : memref<256x64xf32, #tpu.memory_space<vmem>>, vector<1x16xf32>,
      %get3A_105 = vector.shape_cast %get3A_104 : vector<1x16xf32> to vector<16xf32>
      %add3A_106 = arith.addf %get3A_101, %get3A_105 : vector<16xf32>
      %swap3A_107 = arith.index_cast %scan3A_97 : i32 to index
      %swap3A_108 = arith.constant 0 : index
      %swap3A_109 = tpu.vector_load %arg7[%swap3A_107, %swap3A_108] {strides = array<i32>} : memref<256x64xf32, #tpu.memory_space<vmem>>, vector<1x16xf32>,
      %swap3A_110 = vector.shape_cast %swap3A_109 : vector<1x16xf32> to vector<16xf32>
      %swap3A_111 = vector.shape_cast %add3A_106 : vector<16xf32> to vector<1x16xf32>
      tpu.vector_store %arg7[%swap3A_107, %swap3A_108], %swap3A_111 {strides = array<i32>} : memref<256x64xf32, #tpu.memory_space<vmem>>, vector<1x16xf32>,
      %get3A_112 = arith.index_cast %scan3A_97 : i32 to index
      %get3A_113 = arith.constant 16 : index
      %get3A_114 = tpu.vector_load %arg7[%get3A_112, %get3A_113] {strides = array<i32>} : memref<256x64xf32, #tpu.memory_space<vmem>>, vector<1x16xf32>,
      %get3A_115 = vector.shape_cast %get3A_114 : vector<1x16xf32> to vector<16xf32>
      %get3A_116 = arith.index_cast %scan3A_97 : i32 to index
      %get3A_117 = arith.constant 16 : index
      %get3A_118 = tpu.vector_load %arg8[%get3A_116, %get3A_117] {strides = array<i32>} : memref<256x64xf32, #tpu.memory_space<vmem>>, vector<1x16xf32>,
      %get3A_119 = vector.shape_cast %get3A_118 : vector<1x16xf32> to vector<16xf32>
      %add3A_120 = arith.addf %get3A_115, %get3A_119 : vector<16xf32>
      %swap3A_121 = arith.index_cast %scan3A_97 : i32 to index
      %swap3A_122 = arith.constant 16 : index
      %swap3A_123 = tpu.vector_load %arg7[%swap3A_121, %swap3A_122] {strides = array<i32>} : memref<256x64xf32, #tpu.memory_space<vmem>>, vector<1x16xf32>,
      %swap3A_124 = vector.shape_cast %swap3A_123 : vector<1x16xf32> to vector<16xf32>
      %swap3A_125 = vector.shape_cast %add3A_120 : vector<16xf32> to vector<1x16xf32>
      tpu.vector_store %arg7[%swap3A_121, %swap3A_122], %swap3A_125 {strides = array<i32>} : memref<256x64xf32, #tpu.memory_space<vmem>>, vector<1x16xf32>,
      %get3A_126 = arith.index_cast %scan3A_97 : i32 to index
      %get3A_127 = arith.constant 32 : index
      %get3A_128 = tpu.vector_load %arg7[%get3A_126, %get3A_127] {strides = array<i32>} : memref<256x64xf32, #tpu.memory_space<vmem>>, vector<1x16xf32>,
      %get3A_129 = vector.shape_cast %get3A_128 : vector<1x16xf32> to vector<16xf32>
      %get3A_130 = arith.index_cast %scan3A_97 : i32 to index
      %get3A_131 = arith.constant 32 : index
      %get3A_132 = tpu.vector_load %arg8[%get3A_130, %get3A_131] {strides = array<i32>} : memref<256x64xf32, #tpu.memory_space<vmem>>, vector<1x16xf32>,
      %get3A_133 = vector.shape_cast %get3A_132 : vector<1x16xf32> to vector<16xf32>
      %add3A_134 = arith.addf %get3A_129, %get3A_133 : vector<16xf32>
      %swap3A_135 = arith.index_cast %scan3A_97 : i32 to index
      %swap3A_136 = arith.constant 32 : index
      %swap3A_137 = tpu.vector_load %arg7[%swap3A_135, %swap3A_136] {strides = array<i32>} : memref<256x64xf32, #tpu.memory_space<vmem>>, vector<1x16xf32>,
      %swap3A_138 = vector.shape_cast %swap3A_137 : vector<1x16xf32> to vector<16xf32>
      %swap3A_139 = vector.shape_cast %add3A_134 : vector<16xf32> to vector<1x16xf32>
      tpu.vector_store %arg7[%swap3A_135, %swap3A_136], %swap3A_139 {strides = array<i32>} : memref<256x64xf32, #tpu.memory_space<vmem>>, vector<1x16xf32>,
      %get3A_140 = arith.index_cast %scan3A_97 : i32 to index
      %get3A_141 = arith.constant 48 : index
      %get3A_142 = tpu.vector_load %arg7[%get3A_140, %get3A_141] {strides = array<i32>} : memref<256x64xf32, #tpu.memory_space<vmem>>, vector<1x16xf32>,
      %get3A_143 = vector.shape_cast %get3A_142 : vector<1x16xf32> to vector<16xf32>
      %get3A_144 = arith.index_cast %scan3A_97 : i32 to index
      %get3A_145 = arith.constant 48 : index
      %get3A_146 = tpu.vector_load %arg8[%get3A_144, %get3A_145] {strides = array<i32>} : memref<256x64xf32, #tpu.memory_space<vmem>>, vector<1x16xf32>,
      %get3A_147 = vector.shape_cast %get3A_146 : vector<1x16xf32> to vector<16xf32>
      %add3A_148 = arith.addf %get3A_143, %get3A_147 : vector<16xf32>
      %swap3A_149 = arith.index_cast %scan3A_97 : i32 to index
      %swap3A_150 = arith.constant 48 : index
      %swap3A_151 = tpu.vector_load %arg7[%swap3A_149, %swap3A_150] {strides = array<i32>} : memref<256x64xf32, #tpu.memory_space<vmem>>, vector<1x16xf32>,
      %swap3A_152 = vector.shape_cast %swap3A_151 : vector<1x16xf32> to vector<16xf32>
      %swap3A_153 = vector.shape_cast %add3A_148 : vector<16xf32> to vector<1x16xf32>
      tpu.vector_store %arg7[%swap3A_149, %swap3A_150], %swap3A_153 {strides = array<i32>} : memref<256x64xf32, #tpu.memory_space<vmem>>, vector<1x16xf32>,
      %scan3A_154 = arith.constant 2 : i32
      %scan3A_155 = arith.addi %scan3A_41, %scan3A_154 : i32
      %get3A_156 = arith.index_cast %scan3A_155 : i32 to index
      %get3A_157 = arith.constant 0 : index
      %get3A_158 = tpu.vector_load %arg7[%get3A_156, %get3A_157] {strides = array<i32>} : memref<256x64xf32, #tpu.memory_space<vmem>>, vector<1x16xf32>,
      %get3A_159 = vector.shape_cast %get3A_158 : vector<1x16xf32> to vector<16xf32>
      %get3A_160 = arith.index_cast %scan3A_155 : i32 to index
      %get3A_161 = arith.constant 0 : index
      %get3A_162 = tpu.vector_load %arg8[%get3A_160, %get3A_161] {strides = array<i32>} : memref<256x64xf32, #tpu.memory_space<vmem>>, vector<1x16xf32>,
      %get3A_163 = vector.shape_cast %get3A_162 : vector<1x16xf32> to vector<16xf32>
      %add3A_164 = arith.addf %get3A_159, %get3A_163 : vector<16xf32>
      %swap3A_165 = arith.index_cast %scan3A_155 : i32 to index
      %swap3A_166 = arith.constant 0 : index
      %swap3A_167 = tpu.vector_load %arg7[%swap3A_165, %swap3A_166] {strides = array<i32>} : memref<256x64xf32, #tpu.memory_space<vmem>>, vector<1x16xf32>,
      %swap3A_168 = vector.shape_cast %swap3A_167 : vector<1x16xf32> to vector<16xf32>
      %swap3A_169 = vector.shape_cast %add3A_164 : vector<16xf32> to vector<1x16xf32>
      tpu.vector_store %arg7[%swap3A_165, %swap3A_166], %swap3A_169 {strides = array<i32>} : memref<256x64xf32, #tpu.memory_space<vmem>>, vector<1x16xf32>,
      %get3A_170 = arith.index_cast %scan3A_155 : i32 to index
      %get3A_171 = arith.constant 16 : index
      %get3A_172 = tpu.vector_load %arg7[%get3A_170, %get3A_171] {strides = array<i32>} : memref<256x64xf32, #tpu.memory_space<vmem>>, vector<1x16xf32>,
      %get3A_173 = vector.shape_cast %get3A_172 : vector<1x16xf32> to vector<16xf32>
      %get3A_174 = arith.index_cast %scan3A_155 : i32 to index
      %get3A_175 = arith.constant 16 : index
      %get3A_176 = tpu.vector_load %arg8[%get3A_174, %get3A_175] {strides = array<i32>} : memref<256x64xf32, #tpu.memory_space<vmem>>, vector<1x16xf32>,
      %get3A_177 = vector.shape_cast %get3A_176 : vector<1x16xf32> to vector<16xf32>
      %add3A_178 = arith.addf %get3A_173, %get3A_177 : vector<16xf32>
      %swap3A_179 = arith.index_cast %scan3A_155 : i32 to index
      %swap3A_180 = arith.constant 16 : index
      %swap3A_181 = tpu.vector_load %arg7[%swap3A_179, %swap3A_180] {strides = array<i32>} : memref<256x64xf32, #tpu.memory_space<vmem>>, vector<1x16xf32>,
      %swap3A_182 = vector.shape_cast %swap3A_181 : vector<1x16xf32> to vector<16xf32>
      %swap3A_183 = vector.shape_cast %add3A_178 : vector<16xf32> to vector<1x16xf32>
      tpu.vector_store %arg7[%swap3A_179, %swap3A_180], %swap3A_183 {strides = array<i32>} : memref<256x64xf32, #tpu.memory_space<vmem>>, vector<1x16xf32>,
      %get3A_184 = arith.index_cast %scan3A_155 : i32 to index
      %get3A_185 = arith.constant 32 : index
      %get3A_186 = tpu.vector_load %arg7[%get3A_184, %get3A_185] {strides = array<i32>} : memref<256x64xf32, #tpu.memory_space<vmem>>, vector<1x16xf32>,
      %get3A_187 = vector.shape_cast %get3A_186 : vector<1x16xf32> to vector<16xf32>
      %get3A_188 = arith.index_cast %scan3A_155 : i32 to index
      %get3A_189 = arith.constant 32 : index
      %get3A_190 = tpu.vector_load %arg8[%get3A_188, %get3A_189] {strides = array<i32>} : memref<256x64xf32, #tpu.memory_space<vmem>>, vector<1x16xf32>,
      %get3A_191 = vector.shape_cast %get3A_190 : vector<1x16xf32> to vector<16xf32>
      %add3A_192 = arith.addf %get3A_187, %get3A_191 : vector<16xf32>
      %swap3A_193 = arith.index_cast %scan3A_155 : i32 to index
      %swap3A_194 = arith.constant 32 : index
      %swap3A_195 = tpu.vector_load %arg7[%swap3A_193, %swap3A_194] {strides = array<i32>} : memref<256x64xf32, #tpu.memory_space<vmem>>, vector<1x16xf32>,
      %swap3A_196 = vector.shape_cast %swap3A_195 : vector<1x16xf32> to vector<16xf32>
      %swap3A_197 = vector.shape_cast %add3A_192 : vector<16xf32> to vector<1x16xf32>
      tpu.vector_store %arg7[%swap3A_193, %swap3A_194], %swap3A_197 {strides = array<i32>} : memref<256x64xf32, #tpu.memory_space<vmem>>, vector<1x16xf32>,
      %get3A_198 = arith.index_cast %scan3A_155 : i32 to index
      %get3A_199 = arith.constant 48 : index
      %get3A_200 = tpu.vector_load %arg7[%get3A_198, %get3A_199] {strides = array<i32>} : memref<256x64xf32, #tpu.memory_space<vmem>>, vector<1x16xf32>,
      %get3A_201 = vector.shape_cast %get3A_200 : vector<1x16xf32> to vector<16xf32>
      %get3A_202 = arith.index_cast %scan3A_155 : i32 to index
      %get3A_203 = arith.constant 48 : index
      %get3A_204 = tpu.vector_load %arg8[%get3A_202, %get3A_203] {strides = array<i32>} : memref<256x64xf32, #tpu.memory_space<vmem>>, vector<1x16xf32>,
      %get3A_205 = vector.shape_cast %get3A_204 : vector<1x16xf32> to vector<16xf32>
      %add3A_206 = arith.addf %get3A_201, %get3A_205 : vector<16xf32>
      %swap3A_207 = arith.index_cast %scan3A_155 : i32 to index
      %swap3A_208 = arith.constant 48 : index
      %swap3A_209 = tpu.vector_load %arg7[%swap3A_207, %swap3A_208] {strides = array<i32>} : memref<256x64xf32, #tpu.memory_space<vmem>>, vector<1x16xf32>,
      %swap3A_210 = vector.shape_cast %swap3A_209 : vector<1x16xf32> to vector<16xf32>
      %swap3A_211 = vector.shape_cast %add3A_206 : vector<16xf32> to vector<1x16xf32>
      tpu.vector_store %arg7[%swap3A_207, %swap3A_208], %swap3A_211 {strides = array<i32>} : memref<256x64xf32, #tpu.memory_space<vmem>>, vector<1x16xf32>,
      %scan3A_212 = arith.constant 3 : i32
      %scan3A_213 = arith.addi %scan3A_41, %scan3A_212 : i32
      %get3A_214 = arith.index_cast %scan3A_213 : i32 to index
      %get3A_215 = arith.constant 0 : index
      %get3A_216 = tpu.vector_load %arg7[%get3A_214, %get3A_215] {strides = array<i32>} : memref<256x64xf32, #tpu.memory_space<vmem>>, vector<1x16xf32>,
      %get3A_217 = vector.shape_cast %get3A_216 : vector<1x16xf32> to vector<16xf32>
      %get3A_218 = arith.index_cast %scan3A_213 : i32 to index
      %get3A_219 = arith.constant 0 : index
      %get3A_220 = tpu.vector_load %arg8[%get3A_218, %get3A_219] {strides = array<i32>} : memref<256x64xf32, #tpu.memory_space<vmem>>, vector<1x16xf32>,
      %get3A_221 = vector.shape_cast %get3A_220 : vector<1x16xf32> to vector<16xf32>
      %add3A_222 = arith.addf %get3A_217, %get3A_221 : vector<16xf32>
      %swap3A_223 = arith.index_cast %scan3A_213 : i32 to index
      %swap3A_224 = arith.constant 0 : index
      %swap3A_225 = tpu.vector_load %arg7[%swap3A_223, %swap3A_224] {strides = array<i32>} : memref<256x64xf32, #tpu.memory_space<vmem>>, vector<1x16xf32>,
      %swap3A_226 = vector.shape_cast %swap3A_225 : vector<1x16xf32> to vector<16xf32>
      %swap3A_227 = vector.shape_cast %add3A_222 : vector<16xf32> to vector<1x16xf32>
      tpu.vector_store %arg7[%swap3A_223, %swap3A_224], %swap3A_227 {strides = array<i32>} : memref<256x64xf32, #tpu.memory_space<vmem>>, vector<1x16xf32>,
      %get3A_228 = arith.index_cast %scan3A_213 : i32 to index
      %get3A_229 = arith.constant 16 : index
      %get3A_230 = tpu.vector_load %arg7[%get3A_228, %get3A_229] {strides = array<i32>} : memref<256x64xf32, #tpu.memory_space<vmem>>, vector<1x16xf32>,
      %get3A_231 = vector.shape_cast %get3A_230 : vector<1x16xf32> to vector<16xf32>
      %get3A_232 = arith.index_cast %scan3A_213 : i32 to index
      %get3A_233 = arith.constant 16 : index
      %get3A_234 = tpu.vector_load %arg8[%get3A_232, %get3A_233] {strides = array<i32>} : memref<256x64xf32, #tpu.memory_space<vmem>>, vector<1x16xf32>,
      %get3A_235 = vector.shape_cast %get3A_234 : vector<1x16xf32> to vector<16xf32>
      %add3A_236 = arith.addf %get3A_231, %get3A_235 : vector<16xf32>
      %swap3A_237 = arith.index_cast %scan3A_213 : i32 to index
      %swap3A_238 = arith.constant 16 : index
      %swap3A_239 = tpu.vector_load %arg7[%swap3A_237, %swap3A_238] {strides = array<i32>} : memref<256x64xf32, #tpu.memory_space<vmem>>, vector<1x16xf32>,
      %swap3A_240 = vector.shape_cast %swap3A_239 : vector<1x16xf32> to vector<16xf32>
      %swap3A_241 = vector.shape_cast %add3A_236 : vector<16xf32> to vector<1x16xf32>
      tpu.vector_store %arg7[%swap3A_237, %swap3A_238], %swap3A_241 {strides = array<i32>} : memref<256x64xf32, #tpu.memory_space<vmem>>, vector<1x16xf32>,
      %get3A_242 = arith.index_cast %scan3A_213 : i32 to index
      %get3A_243 = arith.constant 32 : index
      %get3A_244 = tpu.vector_load %arg7[%get3A_242, %get3A_243] {strides = array<i32>} : memref<256x64xf32, #tpu.memory_space<vmem>>, vector<1x16xf32>,
      %get3A_245 = vector.shape_cast %get3A_244 : vector<1x16xf32> to vector<16xf32>
      %get3A_246 = arith.index_cast %scan3A_213 : i32 to index
      %get3A_247 = arith.constant 32 : index
      %get3A_248 = tpu.vector_load %arg8[%get3A_246, %get3A_247] {strides = array<i32>} : memref<256x64xf32, #tpu.memory_space<vmem>>, vector<1x16xf32>,
      %get3A_249 = vector.shape_cast %get3A_248 : vector<1x16xf32> to vector<16xf32>
      %add3A_250 = arith.addf %get3A_245, %get3A_249 : vector<16xf32>
      %swap3A_251 = arith.index_cast %scan3A_213 : i32 to index
      %swap3A_252 = arith.constant 32 : index
      %swap3A_253 = tpu.vector_load %arg7[%swap3A_251, %swap3A_252] {strides = array<i32>} : memref<256x64xf32, #tpu.memory_space<vmem>>, vector<1x16xf32>,
      %swap3A_254 = vector.shape_cast %swap3A_253 : vector<1x16xf32> to vector<16xf32>
      %swap3A_255 = vector.shape_cast %add3A_250 : vector<16xf32> to vector<1x16xf32>
      tpu.vector_store %arg7[%swap3A_251, %swap3A_252], %swap3A_255 {strides = array<i32>} : memref<256x64xf32, #tpu.memory_space<vmem>>, vector<1x16xf32>,
      %get3A_256 = arith.index_cast %scan3A_213 : i32 to index
      %get3A_257 = arith.constant 48 : index
      %get3A_258 = tpu.vector_load %arg7[%get3A_256, %get3A_257] {strides = array<i32>} : memref<256x64xf32, #tpu.memory_space<vmem>>, vector<1x16xf32>,
      %get3A_259 = vector.shape_cast %get3A_258 : vector<1x16xf32> to vector<16xf32>
      %get3A_260 = arith.index_cast %scan3A_213 : i32 to index
      %get3A_261 = arith.constant 48 : index
      %get3A_262 = tpu.vector_load %arg8[%get3A_260, %get3A_261] {strides = array<i32>} : memref<256x64xf32, #tpu.memory_space<vmem>>, vector<1x16xf32>,
      %get3A_263 = vector.shape_cast %get3A_262 : vector<1x16xf32> to vector<16xf32>
      %add3A_264 = arith.addf %get3A_259, %get3A_263 : vector<16xf32>
      %swap3A_265 = arith.index_cast %scan3A_213 : i32 to index
      %swap3A_266 = arith.constant 48 : index
      %swap3A_267 = tpu.vector_load %arg7[%swap3A_265, %swap3A_266] {strides = array<i32>} : memref<256x64xf32, #tpu.memory_space<vmem>>, vector<1x16xf32>,
      %swap3A_268 = vector.shape_cast %swap3A_267 : vector<1x16xf32> to vector<16xf32>
      %swap3A_269 = vector.shape_cast %add3A_264 : vector<16xf32> to vector<1x16xf32>
      tpu.vector_store %arg7[%swap3A_265, %swap3A_266], %swap3A_269 {strides = array<i32>} : memref<256x64xf32, #tpu.memory_space<vmem>>, vector<1x16xf32>,
    }
    %scan3A_40 = arith.constant 256 : i32
    "tpu.region"() ({
      %run_scoped3A = tpu.sem_alloc : memref<!tpu.dma_semaphore, #tpu.memory_space<semaphore_mem>>
      %dma_start3A = arith.constant 0 : i32
      %dma_start3A_41 = tpu.memref_slice %arg5[%add3A_22, %dma_start3A] : memref<16384x64xf32, #tpu.memory_space<hbm>> -> memref<256x64xf32, #tpu.memory_space<hbm>>
      %dma_start3A_42 = arith.constant 0 : i32
      %dma_start3A_43 = tpu.memref_slice %arg5[%add3A_22, %dma_start3A_42] : memref<16384x64xf32, #tpu.memory_space<hbm>> -> memref<256x64xf32, #tpu.memory_space<hbm>>
      tpu.enqueue_dma source(%arg7 : memref<256x64xf32, #tpu.memory_space<vmem>>) target(%dma_start3A_43 : memref<256x64xf32, #tpu.memory_space<hbm>>) target_semaphore(%run_scoped3A : memref<!tpu.dma_semaphore, #tpu.memory_space<semaphore_mem>>)
      %dma_wait3A_44 = arith.constant 0 : i32
      %dma_wait3A_45 = tpu.memref_slice %arg5[%add3A_22, %dma_wait3A_44] : memref<16384x64xf32, #tpu.memory_space<hbm>> -> memref<256x64xf32, #tpu.memory_space<hbm>>
      %dma_wait3A_46 = arith.constant 0 : i32
      %dma_wait3A_47 = tpu.memref_slice %arg5[%add3A_22, %dma_wait3A_46] : memref<16384x64xf32, #tpu.memory_space<hbm>> -> memref<256x64xf32, #tpu.memory_space<hbm>>
      tpu.wait_dma2 semaphore(%run_scoped3A : memref<!tpu.dma_semaphore, #tpu.memory_space<semaphore_mem>>) src(%arg7 : memref<256x64xf32, #tpu.memory_space<vmem>>) dst(%dma_wait3A_47 : memref<256x64xf32, #tpu.memory_space<hbm>>)
      tpu.yield
    }) : () -> ()
    return
  }
}

</mosaic_0001>

<sc_bundles>
// kernel: kernel.3.cloned.1.call-start
scs
__scs_entry_jumppad:
0x0: {  	(pc) =	sbr.rel $0x88, $3  }
0x1: {  	(tag) =	ssettag $0x0;
	lr =	simm.s32 $0x1  }
0x2: {  	[smem:$0x3F9E] =	sst lr;
	_ =	strace $0xD0000000  }
0x3: {  	_ = 	snop  }
0x4: {  	_ = 	snop  }
0x5: {  	_ = 	snop  }
0x6: {  	_ = 	snop  }
0x7: {  	_ = 	snop  }
__scs_overlays_trampoline_lowered:
0x8: {  	[smem:$0x3FAD] =	sst s0  }
0x9: {  	[smem:$0x3FAE] =	sst s1  }
0xa: {  	[smem:$0x3FAF] =	sst s2  }
0xb: {  	[smem:$0x3FB0] =	sst s3  }
0xc: {  	[smem:$0x3FB1] =	sst s4  }
0xd: {  	[smem:$0x3FB2] =	sst s5  }
0xe: {  	[smem:$0x3FB3] =	sst s6  }
0xf: {  	[smem:$0x3FB4] =	sst s7  }
0x10: {  	[smem:$0x3FB5] =	sst s8  }
0x11: {  	[smem:$0x3FB6] =	sst s9;
	s0 =	simm.s32 @!p0 $0x0  }
0x12: {  	s1 =	sld [smem:$0x3F9C];
	s0 =	simm.s32 @p0 $0x1  }
0x13: {  	[smem:$0x3FB7] =	sst s0;
	s0 =	simm.s32 @!p1 $0x0  }
0x14: {  	s2 =	sld [smem:$0x3F9B];
	s0 =	simm.s32 @p1 $0x1  }
0x15: {  	[smem:$0x3FB8] =	sst s0;
	s0 =	simm.s32 @!p2 $0x0  }
0x16: {  	s3 =	sld [smem:$0x3FDB];
	s0 =	simm.s32 @p2 $0x1  }
0x17: {  	s4 =	simm.s32 $0x1BF5;
	[smem:$0x3FBA] =	sst s0  }
0x18: {  	s0 =	sld [smem:$0x3F9D];
	_ =	swait.ge [sflag:s4], $0x0  }
0x19: {  	s7 =	sld [smem:$0x3F9E]  }
0x1a: {  	s8 =	sadd.s32 $0xFFFFE003, lr  }
0x1b: {  	s9 =	sadd.s32 $0xFFFFFEF7, lr;
	s5 =	simm.s32 $0xFFFFFFFF;
	p2 =	slt.u32 s8, $0xFFFFF086  }
0x1c: {  	p1 =	slt.u32 s9, $0xF7A;
	s5 =	simm.s32 @!p2 $0x0  }
0x1d: {  	s5 =	simm.s32 @p1 $0x1;
	p0 =	seq.s32 s7, s2  }
0x1e: {  	s7 =	smul.u32 @!p0 $0xF7A, s2;
	p2 =	seq.s32 @!p0 s5, $0x0  }
0x1f: {  	s9 =	smul.u32 $0xF7A, s1;
	s8 =	simm.s32 @!p0 $0x1BF5;
	p2 =	por !p2, p0  }
0x20: {  	[sflag:s8] =	ssyncset.s32 @!p0 $0xFFFFF086;
	s6 =	sadd.s32 @!p0 s3, s7;
	s7 =	simm.s32 @!p0 $0x108  }
0x21: {  	s3 =	sadd.s32 s3, s9;
	s6 =	sadd.s32 @!p0 $0x88, s6;
	s7 =	simm.s32 @p2 $0x1082  }
0x22: {  	[simem:s7], [sflag:s8] =	dma.local @!p0 [hbm:s6], $0xF7A  }
0x23: {  	s9 =	sor.u32 $0xD0000000, s2;
	s6 =	simm.s32 $0x108;
	_ =	swait.ge @!p0 [sflag:s8], $0x0  }
0x24: {  	s3 =	sadd.s32 $0x88, s3;
	s6 =	simm.s32 @!p1 $0x1082;
	[sflag:s4] =	ssyncset.s32 $0xFFFFF086  }
0x25: {  	[simem:s6], [sflag:s4] =	dma.local [hbm:s3], $0xF7A  }
0x26: {  	[smem:$0x3F9E] =	sst s1;
	(tag) =	ssettag s2;
	_ =	strace s9  }
0x27: {  	s1 =	sld [smem:$0x3FAE]  }
0x28: {  	s2 =	sld [smem:$0x3FAF]  }
0x29: {  	s4 =	sld [smem:$0x3FB1]  }
0x2a: {  	p0 =	seq.s32 s5, $0x0;
	s5 =	sld [smem:$0x3FB2]  }
0x2b: {  	s6 =	sld [smem:$0x3FB3]  }
0x2c: {  	s7 =	sld [smem:$0x3FB4]  }
0x2d: {  	s3 =	simm.s32 $0x108;
	s8 =	sld [smem:$0x3FB5]  }
0x2e: {  	s3 =	simm.s32 @!p0 $0x1082;
	s9 =	sld [smem:$0x3FB6]  }
0x2f: {  	lr =	sadd.s32 s0, s3;
	s0 =	sld [smem:$0x3FAD]  }
0x30: {  	s3 =	sld [smem:$0x3FB0]  }
0x31: {  	[smem:$0x3FB9] =	sst s10  }
0x32: {  	s10 =	sld [smem:$0x3FB7];
	_ =	sdelay $0x3  }
0x33: {  	p0 =	seq.s32 s10, $0x1;
	s10 =	sld [smem:$0x3FB9];
	_ =	sdelay $0x3  }
0x34: {  	[smem:$0x3FB9] =	sst s10  }
0x35: {  	s10 =	sld [smem:$0x3FB8];
	_ =	sdelay $0x3  }
0x36: {  	p1 =	seq.s32 s10, $0x1;
	s10 =	sld [smem:$0x3FB9];
	_ =	sdelay $0x3  }
0x37: {  	[smem:$0x3FB9] =	sst s10  }
0x38: {  	s10 =	sld [smem:$0x3FBA]  }
0x39: {  	_ = 	snop;
	(pc) =	sbr.ind lr, $3  }
0x3a: {  	_ = 	snop  }
0x3b: {  	_ = 	snop  }
0x3c: {  	p2 =	seq.s32 s10, $0x1;
	s10 =	sld [smem:$0x3FB9]  }
0x3d: {  	_ =	shalt  }
0x3e: {  	_ =	shalt  }
0x3f: {  	_ =	shalt  }
0x40: {  	_ =	shalt  }
0x41: {  	_ =	shalt  }
0x42: {  	_ =	shalt  }
0x43: {  	_ =	shalt  }
0x44: {  	_ =	shalt  }
0x45: {  	_ =	shalt  }
0x46: {  	_ =	shalt  }
0x47: {  	_ =	shalt  }
0x48: {  	_ =	shalt  }
0x49: {  	_ =	shalt  }
0x4a: {  	_ =	shalt  }
0x4b: {  	_ =	shalt  }
0x4c: {  	_ =	shalt  }
0x4d: {  	_ =	shalt  }
0x4e: {  	_ =	shalt  }
0x4f: {  	_ =	shalt  }
0x50: {  	_ =	shalt  }
0x51: {  	_ =	shalt  }
0x52: {  	_ =	shalt  }
0x53: {  	_ =	shalt  }
0x54: {  	_ =	shalt  }
0x55: {  	_ =	shalt  }
0x56: {  	_ =	shalt  }
0x57: {  	_ =	shalt  }
0x58: {  	_ =	shalt  }
0x59: {  	_ =	shalt  }
0x5a: {  	_ =	shalt  }
0x5b: {  	_ =	shalt  }
0x5c: {  	_ =	shalt  }
0x5d: {  	_ =	shalt  }
0x5e: {  	_ =	shalt  }
0x5f: {  	_ =	shalt  }
0x60: {  	_ =	shalt  }
0x61: {  	_ =	shalt  }
0x62: {  	_ =	shalt  }
0x63: {  	_ =	shalt  }
0x64: {  	_ =	shalt  }
0x65: {  	_ =	shalt  }
0x66: {  	_ =	shalt  }
0x67: {  	_ =	shalt  }
0x68: {  	_ =	shalt  }
0x69: {  	_ =	shalt  }
0x6a: {  	_ =	shalt  }
0x6b: {  	_ =	shalt  }
0x6c: {  	_ =	shalt  }
0x6d: {  	_ =	shalt  }
0x6e: {  	_ =	shalt  }
0x6f: {  	_ =	shalt  }
0x70: {  	_ =	shalt  }
0x71: {  	_ =	shalt  }
0x72: {  	_ =	shalt  }
0x73: {  	_ =	shalt  }
0x74: {  	_ =	shalt  }
0x75: {  	_ =	shalt  }
0x76: {  	_ =	shalt  }
0x77: {  	_ =	shalt  }
0x78: {  	_ =	shalt  }
0x79: {  	_ =	shalt  }
0x7a: {  	_ =	shalt  }
0x7b: {  	_ =	shalt  }
0x7c: {  	_ =	shalt  }
0x7d: {  	_ =	shalt  }
0x7e: {  	_ =	shalt  }
0x7f: {  	_ =	shalt  }
0x80: {  	_ =	shalt  }
0x81: {  	_ =	shalt  }
0x82: {  	_ =	shalt  }
0x83: {  	_ =	shalt  }
0x84: {  	_ =	shalt  }
0x85: {  	_ =	shalt  }
0x86: {  	_ =	shalt  }
0x87: {  	_ =	shalt  }
.Lfunc_end0:
.L_simem_size_0:
called_computation_lowered:
.L_overlay_start_0:
0x88: {  	s2 =	sld [smem:$0x3FD9]  }
0x89: {  	s3 =	sld [smem:$0x3FFE];
	_ =	sdelay $0x1  }
0x8a: {  	s1 =	srdreg.scid  }
0x8b: {  	s0 =	sand.u32 $0x1, s1  }
0x8c: {  	s17 =	sshll.u32 s0, $0xA;
	s2 =	sadd.s32 s3, s2  }
0x8d: {  	s2 =	sadd.s32 s2, s17  }
0x8e: {  	[smem:$0x3FC5] =	sst s2  }
0x8f: {  	_ = 	snop  }
0x90: {  	s2 =	sld [smem:$0x3FD0];
	(tm) =	ssettm $0x1  }
0x91: {  	s18 =	sld [smem:$0x3FFB];
	_ =	sdelay $0x3  }
0x92: {  	_ =	strace s18  }
0x93: {  	s3 =	sld [smem:$0x3FFC];
	_ =	sdelay $0x3  }
0x94: {  	_ =	strace s3  }
0x95: {  	s3 =	sld [smem:$0x3FFD];
	_ =	sdelay $0x3  }
0x96: {  	_ =	strace s3  }
0x97: {  	_ =	strace $0x8FFFFFFF  }
0x98: {  	s19 =	sld [smem:$0x3FDB];
	_ =	sdelay $0x1  }
0x99: {  	s4 =	simm.s32 $_scs_section_size  }
0x9a: {  	s5 =	simm.s32 $_size__tile_overlayer_lowered;
	s6 =	simm.s32 $_tile_overlayer_lowered  }
0x9b: {  	s22 =	simm.s32 $0x1BFF;
	s21 =	sshll.u32 s6, $0x1;
	s3 =	sadd.s32 s4, s19  }
0x9c: {  	s7 =	simm.s32 $0x0;
	s20 =	sshll.u32 s5, $0x1;
	s5 =	sadd.s32 s21, s3  }
0x9d: {  	[timem:s7], [sflag:s22] =	dma.local [hbm:s5], s20  }
0x9e: {  	_ =	swait.ge [sflag:s22], s20  }
0x9f: {  	s4 =	ssub.s32 $0x0, s20;
	[sflag:s22] =	ssyncset.done $0x0  }
0xa0: {  	[sflag:s22] =	ssyncadd.s32 s4;
	_ =	sdelay $0x1  }
0xa1: {  	s23 =	simm.s32 $0x1B8B  }
0xa2: {  	_ =	swait.ge [sflag:s23], $0x1  }
0xa3: {  	[sflag:s23] =	ssyncset.done $0x0  }
0xa4: {  	s25 =	simm.s32 $0x1B8E;
	s24 =	sld [smem:$0x3FFE];
	[sflag:s23] =	ssyncadd.s32 $0xFFFFFFFF  }
0xa5: {  	s26 =	simm.s32 $execute0_lowered;
	[smem:$0x3FD2] =	sst s25  }
0xa6: {  	s5 =	sshll.u32 s26, $0x1;
	_ =	strace $0x80000046;
	[dreg:$0x1] =	wrdreg $0xFFFFFFFF  }
0xa7: {  	s28 =	simm.s32 $_size_execute0_lowered;
	s3 =	sadd.s32 s3, s5;
	[dreg:$0x0] =	wrdreg $0x0  }
0xa8: {  	s5 =	sshll.u32 s28, $0x1;
	[dreg:$0x2] =	wrdreg s3  }
0xa9: {  	[dreg:$0x3] =	wrdreg s5  }
0xaa: {  	[dreg:$0x4] =	wrdreg $0xC0  }
0xab: {  	_ =	task [dreg:s7], $0x5FFFF  }
0xac: {  	[dreg:$0x1] =	wrdreg $0xFFFFFFFF  }
0xad: {  	[dreg:$0x0] =	wrdreg $0x60  }
0xae: {  	[dreg:$0x2] =	wrdreg s2  }
0xaf: {  	[dreg:$0x3] =	wrdreg s24  }
0xb0: {  	[dreg:$0x4] =	wrdreg $0x9  }
0xb1: {  	_ =	task.clear_ibuf [dreg:s7], $0x5FFFF;
	_ =	strace $0x90000046  }
0xb2: {  	s29 =	simm.s32 $0x9;
	_ =	strace $0x80000048  }
0xb3: {  	_ =	swait.ge [sflag:s29], $0x1  }
0xb4: {  	[sflag:s29] =	ssyncadd.s32 $0xFFFFFFFF  }
0xb5: {  	_ =	strace $0x90000048  }
0xb6: {  	_ =	sfence  }
0xb7: {  	s30 =	sld [smem:$0x0];
	_ =	sdelay $0x2  }
0xb8: {  	s31 =	sshll.u32 s1, $0xD;
	s1 =	sshrl.u32 s1, $0x2  }
0xb9: {  	s3 =	sand.u32 $0x4000, s31;
	s1 =	sadd.s32 s1, s30  }
0xba: {  	s0 =	sor.u32 s3, s0;
	s1 =	sshll.u32 s1, $0x11  }
0xbb: {  	s0 =	sor.u32 s1, s0  }
0xbc: {  	s0 =	sadd.s32 $0x8F2B, s0  }
0xbd: {  	[sflag:s0] =	ssyncadd.remote.s32 $0x1  }
0xbe: {  	_ =	sfence.sel $0xFFFF  }
0xbf: {  	[dreg:$0x0] =	wrdreg $0xFFFFFFFF;
	(pc) =	sbr.abs _section_cstart, $3  }
0xc0: {  	[dreg:$0x1] =	wrdreg $0xFFFFFFFF  }
0xc1: {  	_ =	task.clear_ibuf [dreg:s7], $0x2FFFF;
	_ =	strace $0x9FFFFFFF  }
0xc2: {  	(tm) =	ssettm $0x7FFFFFFF  }
0xc3: {  	_ =	shalt  }
tec
execute0_lowered:
.L_overlay_start_1:
0x0: {  	(tag) =	ssettag $0x1  }
0x1: {  	s4 =	rddreg [dreg:$0x0]  }
0x2: {  	s5 =	rddreg [dreg:$0x1]  }
0x3: {  	s1 =	simm.s32 $0x0;
	s6 =	srdreg.scid;
	s0 =	stileid.u32  }
0x4: {  	s12 =	simm.s32 $0x2;
	s14 =	simm.s32 $0x1;
	s16 =	simm.s32 $0x0  }
0x5: {  	[smem:$0x7FF] =	sst s1;
	s3 =	sadd.s32 $0x40400, s5;
	s7 =	sadd.s32 $0x400, s5  }
0x6: {  	s8 =	sadd.s32 $0xF82800, s5;
	s26 =	sand.u32 $0x1, s6;
	s28 =	sshll.u32 s0, $0x1  }
0x7: {  	s29 =	sshll.u32 s0, $0x7;
	_ =	strace $0x80000047;
	s9 =	ssub.s32 $0x2, s26  }
0x8: {  	s5 =	sor.u32 s26, s28;
	s6 =	sand.u32 $0x600, s29;
	s10 =	sshrl.u32 s9, $0x1  }
0x9: {  	s11 =	sshll.u32 s5, $0x4;
	s4 =	sadd.s32 s4, s6;
	s30 =	sshll.u32 s5, $0xD  }
0xa: {  	s11 =	sand.u32 $0x70, s11;
	s9 =	ssub.s32 s9, s10;
	s31 =	sor.u32 $0x1000, s30  }
0xb: {  	s5 =	sadd.s32 s7, s30;
	s6 =	sadd.s32 s8, s30;
	s4 =	sadd.s32 s11, s4  }
0xc: {  	s7 =	sadd.s32 s7, s31;
	s8 =	sadd.s32 s8, s31;
	s9 =	smax.u32 s9, $0x1  }
.LBB2_1:
0xd: {  	s0 =	simm.s32 $0x80;
	s2 =	simm.s32 $0x400  }
0xe: {  	[tilespmem:s1], [sflag:$0x2] =	stream.strided.gather [hbm4b:s4+s0], $0x200, s2, s0, $0x38;
	[tilespmem:$0x10200] =	vst v63  }
0xf: {  	_ =	swait.ge [sflag:s12], $0x200  }
0x10: {  	[sflag:s12] =	ssyncset.done $0x0  }
0x11: {  	[sflag:s12] =	ssyncadd.s32 $0xFFFFFE00  }
0x12: {  	v0 =	vld [tilespmem:s1+$0x0];
	_ =	sdelay $0x4  }
0x13: {  	v0 =	vshll.u32 v0, $0x4  }
0x14: {  	(v2sf) =	vpush v0, $0x0  }
0x15: {  	(v2sf) =	vpush v0, $0x1  }
0x16: {  	(v2sf) =	vpush v0, $0x2;
	_ =	sdelay $0x1  }
0x17: {  	(v2sf) =	vpush v0, $0x4;
	_ =	sdelay $0x1  }
0x18: {  	(v2sf) =	vpush v0, $0x3  }
0x19: {  	(v2sf) =	vpush v0, $0x5  }
0x1a: {  	s18 =	simm.s32 $0x2000;
	s17 =	simm.s32 $0x0;
	s19 =	simm.s32 $0x0;
	(v2sf) =	vpush v0, $0x6  }
.LBB2_2:
0x1b: {  	p0 =	sne.s32 s18, $0x1E000  }
0x1c: {  	s30 =	sadd.s32 $0x280, s17;
	s23 =	sadd.s32 $0x780, s17;
	s20 =	smov.u32 s18  }
0x1d: {  	s18 =	sadd.s32 $0x2000, s18;
	s26 =	sadd.s32 $0x580, s17;
	s21 =	sadd.s32 $0x800, s17;
	(v2sf) =	vpush v0, $0x7  }
0x1e: {  	s29 =	sadd.s32 $0x480, s17;
	s25 =	sadd.s32 $0x600, s17;
	s22 =	sadd.s32 $0x880, s17  }
0x1f: {  	s31 =	sadd.s32 $0x200, s17;
	s0 =	sadd.s32 $0x400, s17;
	(v2sf) =	vpush v0, $0x8  }
0x20: {  	s2 =	sadd.s32 $0x500, s17;
	s19 =	sadd.s32 $0x10, s19  }
0x21: {  	s10 =	sadd.s32 $0x300, s17;
	s24 =	sadd.s32 $0x700, s17;
	s28 =	spop (v2sf);
	(v2sf) =	vpush v0, $0x9  }
0x22: {  	s11 =	sand.u32 $0x1FFFFFF0, s28;
	s28 =	sadd.s32 $0x680, s17;
	s13 =	spop (v2sf)  }
0x23: {  	s11 =	sadd.s32 s3, s11;
	s13 =	sand.u32 $0x1FFFFFF0, s13;
	s15 =	spop (v2sf);
	(v2sf) =	vpush v0, $0xA  }
0x24: {  	[tilespmem:s31], [sflag:$0x1] =	stream.linear.gather [hbm4b:s11+s1], $0x80, $0x38;
	[tilespmem:$0x10200] =	vst v63  }
0x25: {  	s11 =	sadd.s32 s3, s13;
	s13 =	sadd.s32 $0x380, s17;
	s31 =	spop (v2sf);
	(v2sf) =	vpush v0, $0xB  }
0x26: {  	[tilespmem:s30], [sflag:$0x1] =	stream.linear.gather [hbm4b:s11+s1], $0x80, $0x38;
	[tilespmem:$0x10200] =	vst v63  }
0x27: {  	s11 =	sand.u32 $0x1FFFFFF0, s15;
	s15 =	sand.u32 $0x1FFFFFF0, s31;
	s30 =	spop (v2sf);
	(v2sf) =	vpush v0, $0xC  }
0x28: {  	s11 =	sadd.s32 s3, s11;
	s30 =	sand.u32 $0x1FFFFFF0, s30;
	s31 =	spop (v2sf)  }
0x29: {  	[tilespmem:s10], [sflag:$0x1] =	stream.linear.gather [hbm4b:s11+s1], $0x80, $0x38;
	(v2sf) =	vpush v0, $0xD;
	[tilespmem:$0x10200] =	vst v63  }
0x2a: {  	s10 =	sadd.s32 s3, s30;
	s11 =	sand.u32 $0x1FFFFFF0, s31;
	s30 =	spop (v2sf)  }
0x2b: {  	[tilespmem:s13], [sflag:$0x1] =	stream.linear.gather [hbm4b:s10+s1], $0x80, $0x38;
	(v2sf) =	vpush v0, $0xE;
	[tilespmem:$0x10200] =	vst v63  }
0x2c: {  	s10 =	sadd.s32 s3, s15;
	s13 =	sand.u32 $0x1FFFFFF0, s30;
	s15 =	spop (v2sf)  }
0x2d: {  	[tilespmem:s0], [sflag:$0x1] =	stream.linear.gather [hbm4b:s10+s1], $0x80, $0x38;
	(v2sf) =	vpush v0, $0xF;
	[tilespmem:$0x10200] =	vst v63  }
0x2e: {  	s0 =	sadd.s32 s3, s11;
	s10 =	sand.u32 $0x1FFFFFF0, s15;
	s11 =	spop (v2sf)  }
0x2f: {  	[tilespmem:s29], [sflag:$0x1] =	stream.linear.gather [hbm4b:s0+s1], $0x80, $0x38;
	[tilespmem:$0x10200] =	vst v63  }
0x30: {  	s0 =	sadd.s32 s3, s13;
	s11 =	sand.u32 $0x1FFFFFF0, s11;
	s13 =	spop (v2sf)  }
0x31: {  	[tilespmem:s2], [sflag:$0x1] =	stream.linear.gather [hbm4b:s0+s1], $0x80, $0x38;
	[tilespmem:$0x10200] =	vst v63  }
0x32: {  	s0 =	sadd.s32 s3, s10;
	s2 =	sand.u32 $0x1FFFFFF0, s13;
	s10 =	spop (v2sf)  }
0x33: {  	[tilespmem:s26], [sflag:$0x1] =	stream.linear.gather [hbm4b:s0+s1], $0x80, $0x38;
	[tilespmem:$0x10200] =	vst v63  }
0x34: {  	s0 =	sadd.s32 s3, s11;
	s10 =	sand.u32 $0x1FFFFFF0, s10;
	s11 =	spop (v2sf)  }
0x35: {  	[tilespmem:s25], [sflag:$0x1] =	stream.linear.gather [hbm4b:s0+s1], $0x80, $0x38;
	[tilespmem:$0x10200] =	vst v63  }
0x36: {  	s0 =	sadd.s32 s3, s2;
	s2 =	sand.u32 $0x1FFFFFF0, s11;
	s11 =	spop (v2sf)  }
0x37: {  	[tilespmem:s28], [sflag:$0x1] =	stream.linear.gather [hbm4b:s0+s1], $0x80, $0x38;
	[tilespmem:$0x10200] =	vst v63  }
0x38: {  	s0 =	sadd.s32 s3, s10;
	s10 =	sand.u32 $0x1FFFFFF0, s11;
	s11 =	spop (v2sf)  }
0x39: {  	[tilespmem:s24], [sflag:$0x1] =	stream.linear.gather [hbm4b:s0+s1], $0x80, $0x38;
	[tilespmem:$0x10200] =	vst v63  }
0x3a: {  	s0 =	sadd.s32 s3, s2;
	s2 =	sand.u32 $0x1FFFFFF0, s11;
	s11 =	spop (v2sf)  }
0x3b: {  	[tilespmem:s23], [sflag:$0x1] =	stream.linear.gather [hbm4b:s0+s1], $0x80, $0x38;
	[tilespmem:$0x10200] =	vst v63  }
0x3c: {  	s0 =	sadd.s32 s3, s10;
	s10 =	sand.u32 $0x1FFFFFF0, s11;
	s11 =	spop (v2sf)  }
0x3d: {  	[tilespmem:s21], [sflag:$0x1] =	stream.linear.gather [hbm4b:s0+s1], $0x80, $0x38;
	[tilespmem:$0x10200] =	vst v63  }
0x3e: {  	s0 =	sadd.s32 s3, s2;
	s2 =	sand.u32 $0x1FFFFFF0, s11  }
0x3f: {  	[tilespmem:s22], [sflag:$0x1] =	stream.linear.gather [hbm4b:s0+s1], $0x80, $0x38;
	[tilespmem:$0x10200] =	vst v63  }
0x40: {  	s10 =	sadd.s32 s3, s10;
	s0 =	sadd.s32 $0x900, s17  }
0x41: {  	[tilespmem:s0], [sflag:$0x1] =	stream.linear.gather [hbm4b:s10+s1], $0x80, $0x38;
	[tilespmem:$0x10200] =	vst v63  }
0x42: {  	s2 =	sadd.s32 s3, s2;
	s0 =	sadd.s32 $0x980, s17  }
0x43: {  	[tilespmem:s0], [sflag:$0x1] =	stream.linear.gather [hbm4b:s2+s1], $0x80, $0x38;
	[tilespmem:$0x10200] =	vst v63  }
0x44: {  	v0 =	vld [tilespmem:s19+$0x0];
	_ =	sdelay $0x4  }
0x45: {  	v0 =	vshll.u32 v0, $0x4  }
0x46: {  	(v2sf) =	vpush v0, $0x0  }
0x47: {  	(v2sf) =	vpush v0, $0x1  }
0x48: {  	(v2sf) =	vpush v0, $0x2;
	_ =	sdelay $0x1  }
0x49: {  	(v2sf) =	vpush v0, $0x4  }
.Ltmp0:
0x4a: {  	(pc) =	sbr.rel @p0 .LBB2_2-.Ltmp0, $3  }
0x4b: {  	(v2sf) =	vpush v0, $0x3  }
0x4c: {  	(v2sf) =	vpush v0, $0x5;
	_ =	sdelay $0x1  }
0x4d: {  	s17 =	sshra.s32 s20, $0x2;
	(v2sf) =	vpush v0, $0x6  }
0x4e: {  	_ =	sdelay $0x1  }
0x4f: {  	s0 =	sadd.s32 $0x280, s17;
	s20 =	sadd.s32 $0x780, s17  }
0x50: {  	s2 =	sadd.s32 $0x580, s17;
	s18 =	sadd.s32 $0x800, s17;
	(v2sf) =	vpush v0, $0x7;
	s10 =	sadd.s32 $0x480, s17  }
0x51: {  	s11 =	sadd.s32 $0x600, s17;
	s19 =	sadd.s32 $0x880, s17;
	s13 =	sadd.s32 $0x200, s17  }
0x52: {  	s15 =	sadd.s32 $0x400, s17;
	s21 =	sadd.s32 $0x500, s17;
	(v2sf) =	vpush v0, $0x8;
	s22 =	spop (v2sf)  }
0x53: {  	s23 =	sadd.s32 $0x300, s17;
	s22 =	sand.u32 $0x1FFFFFF0, s22;
	s24 =	spop (v2sf)  }
0x54: {  	(v2sf) =	vpush v0, $0x9;
	s22 =	sadd.s32 s3, s22;
	s24 =	sand.u32 $0x1FFFFFF0, s24;
	s25 =	spop (v2sf)  }
0x55: {  	[tilespmem:s13], [sflag:$0x1] =	stream.linear.gather [hbm4b:s22+s1], $0x80, $0x38;
	[tilespmem:$0x10200] =	vst v63  }
0x56: {  	s26 =	sadd.s32 $0x380, s17;
	(v2sf) =	vpush v0, $0xA;
	s30 =	sadd.s32 s3, s24;
	s31 =	spop (v2sf)  }
0x57: {  	[tilespmem:s0], [sflag:$0x1] =	stream.linear.gather [hbm4b:s30+s1], $0x80, $0x38;
	[tilespmem:$0x10200] =	vst v63  }
0x58: {  	s13 =	sadd.s32 $0x700, s17;
	s28 =	sand.u32 $0x1FFFFFF0, s25;
	(v2sf) =	vpush v0, $0xB;
	s29 =	spop (v2sf)  }
0x59: {  	s22 =	sadd.s32 s3, s28;
	s0 =	sadd.s32 $0x680, s17;
	s25 =	sand.u32 $0x1FFFFFF0, s29  }
0x5a: {  	(v2sf) =	vpush v0, $0xC;
	[tilespmem:s23], [sflag:$0x1] =	stream.linear.gather [hbm4b:s22+s1], $0x80, $0x38;
	[tilespmem:$0x10200] =	vst v63  }
0x5b: {  	s30 =	sand.u32 $0x1FFFFFF0, s31;
	s31 =	spop (v2sf);
	s28 =	sadd.s32 s3, s25  }
0x5c: {  	(v2sf) =	vpush v0, $0xD;
	[tilespmem:s26], [sflag:$0x1] =	stream.linear.gather [hbm4b:s28+s1], $0x80, $0x38;
	[tilespmem:$0x10200] =	vst v63  }
0x5d: {  	s22 =	sadd.s32 s3, s30;
	s23 =	sand.u32 $0x1FFFFFF0, s31;
	s29 =	spop (v2sf)  }
0x5e: {  	(v2sf) =	vpush v0, $0xE;
	[tilespmem:s15], [sflag:$0x1] =	stream.linear.gather [hbm4b:s22+s1], $0x80, $0x38;
	[tilespmem:$0x10200] =	vst v63  }
0x5f: {  	s23 =	sadd.s32 s3, s23;
	s30 =	sand.u32 $0x1FFFFFF0, s29;
	s31 =	spop (v2sf)  }
0x60: {  	(v2sf) =	vpush v0, $0xF;
	[tilespmem:s10], [sflag:$0x1] =	stream.linear.gather [hbm4b:s23+s1], $0x80, $0x38;
	[tilespmem:$0x10200] =	vst v63  }
0x61: {  	s24 =	sand.u32 $0x1FFFFFF0, s31;
	s25 =	spop (v2sf);
	s15 =	sadd.s32 s3, s30  }
0x62: {  	[tilespmem:s21], [sflag:$0x1] =	stream.linear.gather [hbm4b:s15+s1], $0x80, $0x38;
	[tilespmem:$0x10200] =	vst v63  }
0x63: {  	s26 =	sand.u32 $0x1FFFFFF0, s25;
	s10 =	sadd.s32 s3, s24;
	s28 =	spop (v2sf)  }
0x64: {  	[tilespmem:s2], [sflag:$0x1] =	stream.linear.gather [hbm4b:s10+s1], $0x80, $0x38;
	[tilespmem:$0x10200] =	vst v63  }
0x65: {  	s15 =	sadd.s32 s3, s26;
	s29 =	sand.u32 $0x1FFFFFF0, s28;
	s30 =	spop (v2sf)  }
0x66: {  	[tilespmem:s11], [sflag:$0x1] =	stream.linear.gather [hbm4b:s15+s1], $0x80, $0x38;
	[tilespmem:$0x10200] =	vst v63  }
0x67: {  	s10 =	sand.u32 $0x1FFFFFF0, s30;
	s2 =	sadd.s32 s3, s29;
	s31 =	spop (v2sf)  }
0x68: {  	[tilespmem:s0], [sflag:$0x1] =	stream.linear.gather [hbm4b:s2+s1], $0x80, $0x38;
	[tilespmem:$0x10200] =	vst v63  }
0x69: {  	s10 =	sadd.s32 s3, s10;
	s15 =	sand.u32 $0x1FFFFFF0, s31;
	s21 =	spop (v2sf)  }
0x6a: {  	[tilespmem:s13], [sflag:$0x1] =	stream.linear.gather [hbm4b:s10+s1], $0x80, $0x38;
	[tilespmem:$0x10200] =	vst v63  }
0x6b: {  	s0 =	sadd.s32 s3, s15;
	s2 =	sand.u32 $0x1FFFFFF0, s21;
	s22 =	spop (v2sf)  }
0x6c: {  	[tilespmem:s20], [sflag:$0x1] =	stream.linear.gather [hbm4b:s0+s1], $0x80, $0x38;
	[tilespmem:$0x10200] =	vst v63  }
0x6d: {  	s23 =	sand.u32 $0x1FFFFFF0, s22;
	s2 =	sadd.s32 s3, s2;
	s24 =	spop (v2sf)  }
0x6e: {  	[tilespmem:s18], [sflag:$0x1] =	stream.linear.gather [hbm4b:s2+s1], $0x80, $0x38;
	[tilespmem:$0x10200] =	vst v63  }
0x6f: {  	s25 =	sand.u32 $0x1FFFFFF0, s24;
	s26 =	spop (v2sf);
	s0 =	sadd.s32 s3, s23  }
0x70: {  	[tilespmem:s19], [sflag:$0x1] =	stream.linear.gather [hbm4b:s0+s1], $0x80, $0x38;
	[tilespmem:$0x10200] =	vst v63  }
0x71: {  	s29 =	sadd.s32 $0x900, s17;
	s28 =	sand.u32 $0x1FFFFFF0, s26;
	s2 =	sadd.s32 s3, s25  }
0x72: {  	[tilespmem:s29], [sflag:$0x1] =	stream.linear.gather [hbm4b:s2+s1], $0x80, $0x38;
	[tilespmem:$0x10200] =	vst v63  }
0x73: {  	s30 =	sadd.s32 $0x980, s17;
	s0 =	sadd.s32 s3, s28  }
0x74: {  	[tilespmem:s30], [sflag:$0x1] =	stream.linear.gather [hbm4b:s0+s1], $0x80, $0x38;
	[tilespmem:$0x10200] =	vst v63  }
0x75: {  	s31 =	simm.s32 $0x8200  }
0x76: {  	[tilespmem:s31], [sflag:$0x2] =	stream.linear.gather [hbm4b:s5+s1], $0x8000, $0x38;
	[tilespmem:$0x10200] =	vst v63  }
0x77: {  	_ =	swait.ge [sflag:s12], $0x8000  }
0x78: {  	[sflag:s12] =	ssyncset.done $0x0  }
0x79: {  	[sflag:s12] =	ssyncadd.s32 $0xFFFF8000  }
0x7a: {  	_ =	swait.ge [sflag:s14], $0x8000  }
0x7b: {  	[sflag:s14] =	ssyncset.done $0x0  }
0x7c: {  	s17 =	simm.s32 $0x300;
	[sflag:s14] =	ssyncadd.s32 $0xFFFF8000  }
0x7d: {  	s18 =	simm.s32 $0x8300;
	v0 =	vld [tilespmem:s17+$0xFFFFFF00]  }
0x7e: {  	v1 =	vld [tilespmem:s18+$0xFFFFFF00];
	_ =	sdelay $0x4  }
0x7f: {  	v0 =	vadd.f32 v1, v0;
	_ =	sdelay $0x1  }
0x80: {  	[tilespmem:s17+$0xFFFFFF00] =	vst v0;
	v0 =	vld [tilespmem:s17+$0xFFFFFF10]  }
0x81: {  	v1 =	vld [tilespmem:s18+$0xFFFFFF10];
	_ =	sdelay $0x4  }
0x82: {  	v0 =	vadd.f32 v1, v0;
	_ =	sdelay $0x1  }
0x83: {  	[tilespmem:s17+$0xFFFFFF10] =	vst v0;
	v0 =	vld [tilespmem:s17+$0xFFFFFF20]  }
0x84: {  	v1 =	vld [tilespmem:s18+$0xFFFFFF20];
	_ =	sdelay $0x4  }
0x85: {  	v0 =	vadd.f32 v1, v0;
	_ =	sdelay $0x1  }
0x86: {  	[tilespmem:s17+$0xFFFFFF20] =	vst v0;
	v0 =	vld [tilespmem:s17+$0xFFFFFF30]  }
0x87: {  	v1 =	vld [tilespmem:s18+$0xFFFFFF30];
	_ =	sdelay $0x4  }
0x88: {  	v0 =	vadd.f32 v1, v0;
	_ =	sdelay $0x1  }
0x89: {  	[tilespmem:s17+$0xFFFFFF30] =	vst v0;
	v0 =	vld [tilespmem:s17+$0xFFFFFF80]  }
0x8a: {  	v1 =	vld [tilespmem:s18+$0xFFFFFF80];
	_ =	sdelay $0x4  }
0x8b: {  	v0 =	vadd.f32 v1, v0;
	_ =	sdelay $0x1  }
0x8c: {  	[tilespmem:s17+$0xFFFFFF80] =	vst v0;
	v0 =	vld [tilespmem:s17+$0xFFFFFF90]  }
0x8d: {  	v1 =	vld [tilespmem:s18+$0xFFFFFF90];
	_ =	sdelay $0x4  }
0x8e: {  	v0 =	vadd.f32 v1, v0;
	_ =	sdelay $0x1  }
0x8f: {  	[tilespmem:s17+$0xFFFFFF90] =	vst v0;
	v0 =	vld [tilespmem:s17+$0xFFFFFFA0]  }
0x90: {  	v1 =	vld [tilespmem:s18+$0xFFFFFFA0];
	_ =	sdelay $0x4  }
0x91: {  	v0 =	vadd.f32 v1, v0;
	_ =	sdelay $0x1  }
0x92: {  	[tilespmem:s17+$0xFFFFFFA0] =	vst v0;
	v0 =	vld [tilespmem:s17+$0xFFFFFFB0]  }
0x93: {  	v1 =	vld [tilespmem:s18+$0xFFFFFFB0];
	_ =	sdelay $0x4  }
0x94: {  	v0 =	vadd.f32 v1, v0;
	_ =	sdelay $0x1  }
0x95: {  	[tilespmem:s17+$0xFFFFFFB0] =	vst v0;
	v0 =	vld [tilespmem:s17+$0x0]  }
0x96: {  	v1 =	vld [tilespmem:s18+$0x0];
	_ =	sdelay $0x4  }
0x97: {  	v0 =	vadd.f32 v1, v0;
	_ =	sdelay $0x1  }
0x98: {  	[tilespmem:s17+$0x0] =	vst v0;
	v0 =	vld [tilespmem:s17+$0x10]  }
0x99: {  	v1 =	vld [tilespmem:s18+$0x10];
	_ =	sdelay $0x4  }
0x9a: {  	v0 =	vadd.f32 v1, v0;
	_ =	sdelay $0x1  }
0x9b: {  	[tilespmem:s17+$0x10] =	vst v0;
	v0 =	vld [tilespmem:s17+$0x20]  }
0x9c: {  	v1 =	vld [tilespmem:s18+$0x20];
	_ =	sdelay $0x4  }
0x9d: {  	v0 =	vadd.f32 v1, v0;
	_ =	sdelay $0x1  }
0x9e: {  	[tilespmem:s17+$0x20] =	vst v0;
	v0 =	vld [tilespmem:s17+$0x30]  }
0x9f: {  	v1 =	vld [tilespmem:s18+$0x30];
	_ =	sdelay $0x4  }
0xa0: {  	v0 =	vadd.f32 v1, v0;
	_ =	sdelay $0x1  }
0xa1: {  	[tilespmem:s17+$0x30] =	vst v0;
	v0 =	vld [tilespmem:s17+$0x80]  }
0xa2: {  	v1 =	vld [tilespmem:s18+$0x80];
	_ =	sdelay $0x4  }
0xa3: {  	v0 =	vadd.f32 v1, v0;
	_ =	sdelay $0x1  }
0xa4: {  	[tilespmem:s17+$0x80] =	vst v0;
	v0 =	vld [tilespmem:s17+$0x90]  }
0xa5: {  	v1 =	vld [tilespmem:s18+$0x90];
	_ =	sdelay $0x4  }
0xa6: {  	v0 =	vadd.f32 v1, v0;
	_ =	sdelay $0x1  }
0xa7: {  	[tilespmem:s17+$0x90] =	vst v0;
	v0 =	vld [tilespmem:s17+$0xA0]  }
0xa8: {  	v1 =	vld [tilespmem:s18+$0xA0];
	_ =	sdelay $0x4  }
0xa9: {  	v0 =	vadd.f32 v1, v0;
	_ =	sdelay $0x1  }
0xaa: {  	[tilespmem:s17+$0xA0] =	vst v0;
	v0 =	vld [tilespmem:s17+$0xB0]  }
0xab: {  	v1 =	vld [tilespmem:s18+$0xB0];
	_ =	sdelay $0x4  }
0xac: {  	v0 =	vadd.f32 v1, v0  }
0xad: {  	s20 =	simm.s32 $0x500;
	s19 =	simm.s32 $0x0  }
.LBB2_4:
0xae: {  	v1 =	vld [tilespmem:s20+$0xFFFFFF00];
	[tilespmem:s17+$0xB0] =	vst v0;
	s18 =	sadd.s32 $0x200, s18;
	s17 =	smov.u32 s20  }
0xaf: {  	s19 =	sadd.s32 $0x4, s19;
	v0 =	vld [tilespmem:s18+$0xFFFFFF00]  }
0xb0: {  	p0 =	slt.u32 s19, $0xFC;
	_ =	sdelay $0x3  }
0xb1: {  	v0 =	vadd.f32 v0, v1;
	_ =	sdelay $0x1  }
0xb2: {  	[tilespmem:s20+$0xFFFFFF00] =	vst v0;
	v0 =	vld [tilespmem:s20+$0xFFFFFF10]  }
0xb3: {  	v1 =	vld [tilespmem:s18+$0xFFFFFF10];
	_ =	sdelay $0x4  }
0xb4: {  	v0 =	vadd.f32 v1, v0;
	_ =	sdelay $0x1  }
0xb5: {  	[tilespmem:s20+$0xFFFFFF10] =	vst v0;
	v0 =	vld [tilespmem:s20+$0xFFFFFF20]  }
0xb6: {  	v1 =	vld [tilespmem:s18+$0xFFFFFF20];
	_ =	sdelay $0x4  }
0xb7: {  	v0 =	vadd.f32 v1, v0;
	_ =	sdelay $0x1  }
0xb8: {  	[tilespmem:s20+$0xFFFFFF20] =	vst v0;
	v0 =	vld [tilespmem:s20+$0xFFFFFF30]  }
0xb9: {  	v1 =	vld [tilespmem:s18+$0xFFFFFF30];
	_ =	sdelay $0x4  }
0xba: {  	v0 =	vadd.f32 v1, v0;
	_ =	sdelay $0x1  }
0xbb: {  	[tilespmem:s20+$0xFFFFFF30] =	vst v0;
	v0 =	vld [tilespmem:s20+$0xFFFFFF80]  }
0xbc: {  	v1 =	vld [tilespmem:s18+$0xFFFFFF80];
	_ =	sdelay $0x4  }
0xbd: {  	v0 =	vadd.f32 v1, v0;
	_ =	sdelay $0x1  }
0xbe: {  	[tilespmem:s20+$0xFFFFFF80] =	vst v0;
	v0 =	vld [tilespmem:s20+$0xFFFFFF90]  }
0xbf: {  	v1 =	vld [tilespmem:s18+$0xFFFFFF90];
	_ =	sdelay $0x4  }
0xc0: {  	v0 =	vadd.f32 v1, v0;
	_ =	sdelay $0x1  }
0xc1: {  	[tilespmem:s20+$0xFFFFFF90] =	vst v0;
	v0 =	vld [tilespmem:s20+$0xFFFFFFA0]  }
0xc2: {  	v1 =	vld [tilespmem:s18+$0xFFFFFFA0];
	_ =	sdelay $0x4  }
0xc3: {  	v0 =	vadd.f32 v1, v0;
	_ =	sdelay $0x1  }
0xc4: {  	[tilespmem:s20+$0xFFFFFFA0] =	vst v0;
	v0 =	vld [tilespmem:s20+$0xFFFFFFB0]  }
0xc5: {  	v1 =	vld [tilespmem:s18+$0xFFFFFFB0];
	_ =	sdelay $0x4  }
0xc6: {  	v0 =	vadd.f32 v1, v0;
	_ =	sdelay $0x1  }
0xc7: {  	[tilespmem:s20+$0xFFFFFFB0] =	vst v0;
	v0 =	vld [tilespmem:s20+$0x0]  }
0xc8: {  	v1 =	vld [tilespmem:s18+$0x0];
	_ =	sdelay $0x4  }
0xc9: {  	v0 =	vadd.f32 v1, v0;
	_ =	sdelay $0x1  }
0xca: {  	[tilespmem:s20+$0x0] =	vst v0;
	v0 =	vld [tilespmem:s20+$0x10]  }
0xcb: {  	v1 =	vld [tilespmem:s18+$0x10];
	_ =	sdelay $0x4  }
0xcc: {  	v0 =	vadd.f32 v1, v0;
	_ =	sdelay $0x1  }
0xcd: {  	[tilespmem:s20+$0x10] =	vst v0;
	v0 =	vld [tilespmem:s20+$0x20]  }
0xce: {  	v1 =	vld [tilespmem:s18+$0x20];
	_ =	sdelay $0x4  }
0xcf: {  	v0 =	vadd.f32 v1, v0;
	_ =	sdelay $0x1  }
0xd0: {  	[tilespmem:s20+$0x20] =	vst v0;
	v0 =	vld [tilespmem:s20+$0x30]  }
0xd1: {  	v1 =	vld [tilespmem:s18+$0x30];
	_ =	sdelay $0x4  }
0xd2: {  	v0 =	vadd.f32 v1, v0;
	_ =	sdelay $0x1  }
0xd3: {  	[tilespmem:s20+$0x30] =	vst v0;
	v0 =	vld [tilespmem:s20+$0x80]  }
0xd4: {  	v1 =	vld [tilespmem:s18+$0x80];
	_ =	sdelay $0x4  }
0xd5: {  	v0 =	vadd.f32 v1, v0;
	_ =	sdelay $0x1  }
0xd6: {  	[tilespmem:s20+$0x80] =	vst v0;
	v0 =	vld [tilespmem:s20+$0x90]  }
0xd7: {  	v1 =	vld [tilespmem:s18+$0x90];
	_ =	sdelay $0x4  }
0xd8: {  	v0 =	vadd.f32 v1, v0;
	_ =	sdelay $0x1  }
0xd9: {  	[tilespmem:s20+$0x90] =	vst v0;
	v0 =	vld [tilespmem:s20+$0xA0]  }
0xda: {  	v1 =	vld [tilespmem:s18+$0xA0];
	_ =	sdelay $0x4  }
0xdb: {  	v0 =	vadd.f32 v1, v0;
	_ =	sdelay $0x1  }
0xdc: {  	[tilespmem:s20+$0xA0] =	vst v0;
	v0 =	vld [tilespmem:s20+$0xB0]  }
0xdd: {  	v1 =	vld [tilespmem:s18+$0xB0];
	_ =	sdelay $0x1  }
.Ltmp1:
0xde: {  	(pc) =	sbr.rel @p0 .LBB2_4-.Ltmp1, $3  }
0xdf: {  	_ =	sdelay $0x1  }
0xe0: {  	v0 =	vadd.f32 v1, v0  }
0xe1: {  	s20 =	sadd.s32 $0x200, s20  }
0xe2: {  	[tilespmem:s17+$0xB0] =	vst v0;
	s17 =	simm.s32 $0x0;
	s0 =	simm.s32 $0x200  }
0xe3: {  	[hbm4b:s6+s17] =	stream.linear.scatter [tilespmem:s0], [sflag:$0x2], $0x8000, $0x38;
	[tilespmem:$0x10200] =	vst v63  }
0xe4: {  	_ =	swait.ge [sflag:s12], $0x8000  }
0xe5: {  	[sflag:s12] =	ssyncset.done $0x0  }
0xe6: {  	s31 =	sand.u32 $0xF0, s17;
	[sflag:s12] =	ssyncadd.s32 $0xFFFF8000  }
0xe7: {  	v0 =	vld [tilespmem:s31+$0x100];
	_ =	sdelay $0x4  }
0xe8: {  	v0 =	vshll.u32 v0, $0x4  }
0xe9: {  	(v2sf) =	vpush v0, $0x0  }
0xea: {  	(v2sf) =	vpush v0, $0x2  }
0xeb: {  	(v2sf) =	vpush v0, $0x1;
	_ =	sdelay $0x1  }
0xec: {  	(v2sf) =	vpush v0, $0x3  }
0xed: {  	(v2sf) =	vpush v0, $0x4;
	_ =	sdelay $0x2  }
0xee: {  	s18 =	simm.s32 $0x2000;
	s19 =	simm.s32 $0x10  }
.LBB2_6:
0xef: {  	p0 =	sne.s32 s18, $0x1E000;
	(v2sf) =	vpush v0, $0x5;
	s0 =	smov.u32 s18;
	s18 =	sadd.s32 $0x2000, s18  }
0xf0: {  	s20 =	sshra.s32 s17, $0x2;
	s17 =	smov.u32 s0  }
0xf1: {  	s0 =	sadd.s32 $0x280, s20;
	(v2sf) =	vpush v0, $0x6  }
0xf2: {  	s2 =	sadd.s32 $0x200, s20  }
0xf3: {  	s23 =	sadd.s32 $0x780, s20;
	s22 =	sadd.s32 $0x800, s20;
	s21 =	sadd.s32 $0x880, s20;
	(v2sf) =	vpush v0, $0x7  }
0xf4: {  	s26 =	sadd.s32 $0x600, s20;
	s25 =	sadd.s32 $0x680, s20;
	s24 =	sadd.s32 $0x700, s20  }
0xf5: {  	s10 =	sadd.s32 $0x500, s20;
	s28 =	sadd.s32 $0x580, s20;
	s11 =	spop (v2sf);
	(v2sf) =	vpush v0, $0x8  }
0xf6: {  	s13 =	sadd.s32 $0x300, s20;
	s11 =	sand.u32 $0x1FFFFFF0, s11;
	s15 =	spop (v2sf)  }
0xf7: {  	s29 =	sadd.s32 $0x480, s20;
	s11 =	sadd.s32 s3, s11;
	s30 =	spop (v2sf);
	(v2sf) =	vpush v0, $0x9  }
0xf8: {  	[tilespmem:s2], [sflag:$0x1] =	stream.linear.gather [hbm4b:s11+s1], $0x80, $0x38;
	[tilespmem:$0x10200] =	vst v63  }
0xf9: {  	s2 =	sand.u32 $0x1FFFFFF0, s30;
	s11 =	sand.u32 $0x1FFFFFF0, s15;
	s15 =	spop (v2sf);
	(v2sf) =	vpush v0, $0xA  }
0xfa: {  	s30 =	sadd.s32 $0x400, s20;
	s2 =	sadd.s32 s3, s2;
	s31 =	spop (v2sf)  }
0xfb: {  	[tilespmem:s0], [sflag:$0x1] =	stream.linear.gather [hbm4b:s2+s1], $0x80, $0x38;
	(v2sf) =	vpush v0, $0xB;
	[tilespmem:$0x10200] =	vst v63  }
0xfc: {  	s0 =	sadd.s32 s3, s11;
	s2 =	sand.u32 $0x1FFFFFF0, s15;
	s11 =	sand.u32 $0x1FFFFFF0, s31  }
0xfd: {  	[tilespmem:s13], [sflag:$0x1] =	stream.linear.gather [hbm4b:s0+s1], $0x80, $0x38;
	(v2sf) =	vpush v0, $0xC;
	[tilespmem:$0x10200] =	vst v63  }
0xfe: {  	s2 =	sadd.s32 s3, s2;
	s0 =	sadd.s32 $0x380, s20;
	s13 =	spop (v2sf)  }
0xff: {  	[tilespmem:s0], [sflag:$0x1] =	stream.linear.gather [hbm4b:s2+s1], $0x80, $0x38;
	(v2sf) =	vpush v0, $0xD;
	[tilespmem:$0x10200] =	vst v63  }
0x100: {  	s0 =	sadd.s32 s3, s11;
	s2 =	sand.u32 $0x1FFFFFF0, s13;
	s11 =	spop (v2sf)  }
0x101: {  	[tilespmem:s30], [sflag:$0x1] =	stream.linear.gather [hbm4b:s0+s1], $0x80, $0x38;
	(v2sf) =	vpush v0, $0xE;
	[tilespmem:$0x10200] =	vst v63  }
0x102: {  	s0 =	sadd.s32 s3, s2;
	s2 =	sand.u32 $0x1FFFFFF0, s11;
	s11 =	spop (v2sf)  }
0x103: {  	[tilespmem:s29], [sflag:$0x1] =	stream.linear.gather [hbm4b:s0+s1], $0x80, $0x38;
	(v2sf) =	vpush v0, $0xF;
	[tilespmem:$0x10200] =	vst v63  }
0x104: {  	s0 =	sadd.s32 s3, s2;
	s2 =	sand.u32 $0x1FFFFFF0, s11;
	s11 =	spop (v2sf)  }
0x105: {  	[tilespmem:s10], [sflag:$0x1] =	stream.linear.gather [hbm4b:s0+s1], $0x80, $0x38;
	[tilespmem:$0x10200] =	vst v63  }
0x106: {  	s0 =	sadd.s32 s3, s2;
	s2 =	sand.u32 $0x1FFFFFF0, s11;
	s10 =	spop (v2sf)  }
0x107: {  	[tilespmem:s28], [sflag:$0x1] =	stream.linear.gather [hbm4b:s0+s1], $0x80, $0x38;
	[tilespmem:$0x10200] =	vst v63  }
0x108: {  	s0 =	sadd.s32 s3, s2;
	s2 =	sand.u32 $0x1FFFFFF0, s10;
	s10 =	spop (v2sf)  }
0x109: {  	[tilespmem:s26], [sflag:$0x1] =	stream.linear.gather [hbm4b:s0+s1], $0x80, $0x38;
	[tilespmem:$0x10200] =	vst v63  }
0x10a: {  	s0 =	sadd.s32 s3, s2;
	s2 =	sand.u32 $0x1FFFFFF0, s10;
	s10 =	spop (v2sf)  }
0x10b: {  	[tilespmem:s25], [sflag:$0x1] =	stream.linear.gather [hbm4b:s0+s1], $0x80, $0x38;
	[tilespmem:$0x10200] =	vst v63  }
0x10c: {  	s0 =	sadd.s32 s3, s2;
	s2 =	sand.u32 $0x1FFFFFF0, s10;
	s10 =	spop (v2sf)  }
0x10d: {  	[tilespmem:s24], [sflag:$0x1] =	stream.linear.gather [hbm4b:s0+s1], $0x80, $0x38;
	[tilespmem:$0x10200] =	vst v63  }
0x10e: {  	s0 =	sadd.s32 s3, s2;
	s2 =	sand.u32 $0x1FFFFFF0, s10;
	s10 =	spop (v2sf)  }
0x10f: {  	[tilespmem:s23], [sflag:$0x1] =	stream.linear.gather [hbm4b:s0+s1], $0x80, $0x38;
	[tilespmem:$0x10200] =	vst v63  }
0x110: {  	s0 =	sadd.s32 s3, s2;
	s2 =	sand.u32 $0x1FFFFFF0, s10;
	s10 =	spop (v2sf)  }
0x111: {  	[tilespmem:s22], [sflag:$0x1] =	stream.linear.gather [hbm4b:s0+s1], $0x80, $0x38;
	[tilespmem:$0x10200] =	vst v63  }
0x112: {  	s0 =	sadd.s32 s3, s2;
	s2 =	sand.u32 $0x1FFFFFF0, s10;
	s10 =	spop (v2sf)  }
0x113: {  	[tilespmem:s21], [sflag:$0x1] =	stream.linear.gather [hbm4b:s0+s1], $0x80, $0x38;
	[tilespmem:$0x10200] =	vst v63  }
0x114: {  	s2 =	sadd.s32 s3, s2;
	s0 =	sadd.s32 $0x900, s20;
	s10 =	sand.u32 $0x1FFFFFF0, s10  }
0x115: {  	[tilespmem:s0], [sflag:$0x1] =	stream.linear.gather [hbm4b:s2+s1], $0x80, $0x38;
	[tilespmem:$0x10200] =	vst v63  }
0x116: {  	s10 =	sadd.s32 s3, s10;
	s0 =	sand.u32 $0xF0, s19;
	s2 =	sadd.s32 $0x980, s20  }
0x117: {  	[tilespmem:s2], [sflag:$0x1] =	stream.linear.gather [hbm4b:s10+s1], $0x80, $0x38;
	[tilespmem:$0x10200] =	vst v63  }
0x118: {  	v0 =	vld [tilespmem:s0+$0x100];
	_ =	sdelay $0x4  }
0x119: {  	v0 =	vshll.u32 v0, $0x4  }
0x11a: {  	(v2sf) =	vpush v0, $0x0  }
0x11b: {  	(v2sf) =	vpush v0, $0x2  }
0x11c: {  	(v2sf) =	vpush v0, $0x1;
	_ =	sdelay $0x1  }
.Ltmp2:
0x11d: {  	(v2sf) =	vpush v0, $0x3;
	(pc) =	sbr.rel @p0 .LBB2_6-.Ltmp2, $2  }
0x11e: {  	(v2sf) =	vpush v0, $0x4;
	_ =	sdelay $0x2  }
0x11f: {  	s19 =	sadd.s32 $0x10, s19  }
0x120: {  	(v2sf) =	vpush v0, $0x5;
	_ =	sdelay $0x1  }
0x121: {  	s17 =	sshra.s32 s17, $0x2;
	(v2sf) =	vpush v0, $0x6  }
0x122: {  	s0 =	sadd.s32 $0x280, s17;
	s2 =	sadd.s32 $0x200, s17  }
0x123: {  	s20 =	sadd.s32 $0x780, s17;
	s19 =	sadd.s32 $0x800, s17;
	s18 =	sadd.s32 $0x880, s17;
	(v2sf) =	vpush v0, $0x7  }
0x124: {  	s10 =	sadd.s32 $0x600, s17;
	s11 =	sadd.s32 $0x680, s17;
	s13 =	sadd.s32 $0x700, s17  }
0x125: {  	s15 =	sadd.s32 $0x500, s17;
	s21 =	sadd.s32 $0x580, s17;
	s22 =	spop (v2sf);
	(v2sf) =	vpush v0, $0x8  }
0x126: {  	s23 =	sadd.s32 $0x300, s17;
	s22 =	sand.u32 $0x1FFFFFF0, s22;
	s24 =	spop (v2sf)  }
0x127: {  	s25 =	sadd.s32 $0x480, s17;
	s22 =	sadd.s32 s3, s22;
	s26 =	spop (v2sf);
	(v2sf) =	vpush v0, $0x9  }
0x128: {  	[tilespmem:s2], [sflag:$0x1] =	stream.linear.gather [hbm4b:s22+s1], $0x80, $0x38;
	[tilespmem:$0x10200] =	vst v63  }
0x129: {  	s30 =	sand.u32 $0x1FFFFFF0, s24;
	s29 =	sand.u32 $0x1FFFFFF0, s26;
	s31 =	spop (v2sf);
	(v2sf) =	vpush v0, $0xA  }
0x12a: {  	s24 =	sadd.s32 $0x380, s17;
	s2 =	sadd.s32 s3, s29;
	s28 =	spop (v2sf)  }
0x12b: {  	[tilespmem:s0], [sflag:$0x1] =	stream.linear.gather [hbm4b:s2+s1], $0x80, $0x38;
	(v2sf) =	vpush v0, $0xB;
	[tilespmem:$0x10200] =	vst v63  }
0x12c: {  	s26 =	sadd.s32 $0x400, s17;
	s29 =	sadd.s32 s3, s30;
	s30 =	sand.u32 $0x1FFFFFF0, s31  }
0x12d: {  	(v2sf) =	vpush v0, $0xC;
	[tilespmem:s23], [sflag:$0x1] =	stream.linear.gather [hbm4b:s29+s1], $0x80, $0x38;
	[tilespmem:$0x10200] =	vst v63  }
0x12e: {  	s31 =	sand.u32 $0x1FFFFFF0, s28;
	s2 =	sadd.s32 s3, s30;
	s28 =	spop (v2sf)  }
0x12f: {  	[tilespmem:s24], [sflag:$0x1] =	stream.linear.gather [hbm4b:s2+s1], $0x80, $0x38;
	(v2sf) =	vpush v0, $0xD;
	[tilespmem:$0x10200] =	vst v63  }
0x130: {  	s29 =	sadd.s32 s3, s31;
	s30 =	sand.u32 $0x1FFFFFF0, s28;
	s31 =	spop (v2sf)  }
0x131: {  	(v2sf) =	vpush v0, $0xE;
	[tilespmem:s26], [sflag:$0x1] =	stream.linear.gather [hbm4b:s29+s1], $0x80, $0x38;
	[tilespmem:$0x10200] =	vst v63  }
0x132: {  	s2 =	sadd.s32 s3, s30;
	s23 =	sand.u32 $0x1FFFFFF0, s31;
	s24 =	spop (v2sf)  }
0x133: {  	(v2sf) =	vpush v0, $0xF;
	[tilespmem:s25], [sflag:$0x1] =	stream.linear.gather [hbm4b:s2+s1], $0x80, $0x38;
	[tilespmem:$0x10200] =	vst v63  }
0x134: {  	s26 =	sand.u32 $0x1FFFFFF0, s24;
	s25 =	sadd.s32 s3, s23;
	s28 =	spop (v2sf)  }
0x135: {  	[tilespmem:s15], [sflag:$0x1] =	stream.linear.gather [hbm4b:s25+s1], $0x80, $0x38;
	[tilespmem:$0x10200] =	vst v63  }
0x136: {  	s29 =	sadd.s32 s3, s26;
	s30 =	sand.u32 $0x1FFFFFF0, s28;
	s31 =	spop (v2sf)  }
0x137: {  	[tilespmem:s21], [sflag:$0x1] =	stream.linear.gather [hbm4b:s29+s1], $0x80, $0x38;
	[tilespmem:$0x10200] =	vst v63  }
0x138: {  	s22 =	sadd.s32 s3, s30;
	s23 =	sand.u32 $0x1FFFFFF0, s31;
	s24 =	spop (v2sf)  }
0x139: {  	[tilespmem:s10], [sflag:$0x1] =	stream.linear.gather [hbm4b:s22+s1], $0x80, $0x38;
	[tilespmem:$0x10200] =	vst v63  }
0x13a: {  	s25 =	sadd.s32 s3, s23;
	s26 =	sand.u32 $0x1FFFFFF0, s24;
	s28 =	spop (v2sf)  }
0x13b: {  	[tilespmem:s11], [sflag:$0x1] =	stream.linear.gather [hbm4b:s25+s1], $0x80, $0x38;
	[tilespmem:$0x10200] =	vst v63  }
0x13c: {  	s29 =	sadd.s32 s3, s26;
	s30 =	sand.u32 $0x1FFFFFF0, s28;
	s31 =	spop (v2sf)  }
0x13d: {  	[tilespmem:s13], [sflag:$0x1] =	stream.linear.gather [hbm4b:s29+s1], $0x80, $0x38;
	[tilespmem:$0x10200] =	vst v63  }
0x13e: {  	s11 =	sadd.s32 s3, s30;
	s13 =	sand.u32 $0x1FFFFFF0, s31;
	s15 =	spop (v2sf)  }
0x13f: {  	[tilespmem:s20], [sflag:$0x1] =	stream.linear.gather [hbm4b:s11+s1], $0x80, $0x38;
	[tilespmem:$0x10200] =	vst v63  }
0x140: {  	s21 =	sadd.s32 s3, s13;
	s22 =	sand.u32 $0x1FFFFFF0, s15;
	s23 =	spop (v2sf)  }
0x141: {  	[tilespmem:s19], [sflag:$0x1] =	stream.linear.gather [hbm4b:s21+s1], $0x80, $0x38;
	[tilespmem:$0x10200] =	vst v63  }
0x142: {  	s24 =	sadd.s32 s3, s22;
	s25 =	sand.u32 $0x1FFFFFF0, s23;
	s26 =	spop (v2sf)  }
0x143: {  	[tilespmem:s18], [sflag:$0x1] =	stream.linear.gather [hbm4b:s24+s1], $0x80, $0x38;
	[tilespmem:$0x10200] =	vst v63  }
0x144: {  	s28 =	sadd.s32 $0x900, s17;
	s2 =	sadd.s32 s3, s25;
	s10 =	sand.u32 $0x1FFFFFF0, s26  }
0x145: {  	[tilespmem:s28], [sflag:$0x1] =	stream.linear.gather [hbm4b:s2+s1], $0x80, $0x38;
	[tilespmem:$0x10200] =	vst v63  }
0x146: {  	s29 =	sadd.s32 $0x980, s17;
	s30 =	sadd.s32 s3, s10  }
0x147: {  	[tilespmem:s29], [sflag:$0x1] =	stream.linear.gather [hbm4b:s30+s1], $0x80, $0x38;
	[tilespmem:$0x10200] =	vst v63  }
0x148: {  	s31 =	simm.s32 $0x8200  }
0x149: {  	[tilespmem:s31], [sflag:$0x2] =	stream.linear.gather [hbm4b:s7+s1], $0x8000, $0x38;
	[tilespmem:$0x10200] =	vst v63  }
0x14a: {  	_ =	swait.ge [sflag:s12], $0x8000  }
0x14b: {  	[sflag:s12] =	ssyncset.done $0x0  }
0x14c: {  	[sflag:s12] =	ssyncadd.s32 $0xFFFF8000  }
0x14d: {  	_ =	swait.ge [sflag:s14], $0x8000  }
0x14e: {  	[sflag:s14] =	ssyncset.done $0x0  }
0x14f: {  	s17 =	simm.s32 $0x300;
	[sflag:s14] =	ssyncadd.s32 $0xFFFF8000  }
0x150: {  	s18 =	simm.s32 $0x8300;
	v0 =	vld [tilespmem:s17+$0xFFFFFF00]  }
0x151: {  	v1 =	vld [tilespmem:s18+$0xFFFFFF00];
	_ =	sdelay $0x4  }
0x152: {  	v0 =	vadd.f32 v1, v0;
	_ =	sdelay $0x1  }
0x153: {  	[tilespmem:s17+$0xFFFFFF00] =	vst v0;
	v0 =	vld [tilespmem:s17+$0xFFFFFF10]  }
0x154: {  	v1 =	vld [tilespmem:s18+$0xFFFFFF10];
	_ =	sdelay $0x4  }
0x155: {  	v0 =	vadd.f32 v1, v0;
	_ =	sdelay $0x1  }
0x156: {  	[tilespmem:s17+$0xFFFFFF10] =	vst v0;
	v0 =	vld [tilespmem:s17+$0xFFFFFF20]  }
0x157: {  	v1 =	vld [tilespmem:s18+$0xFFFFFF20];
	_ =	sdelay $0x4  }
0x158: {  	v0 =	vadd.f32 v1, v0;
	_ =	sdelay $0x1  }
0x159: {  	[tilespmem:s17+$0xFFFFFF20] =	vst v0;
	v0 =	vld [tilespmem:s17+$0xFFFFFF30]  }
0x15a: {  	v1 =	vld [tilespmem:s18+$0xFFFFFF30];
	_ =	sdelay $0x4  }
0x15b: {  	v0 =	vadd.f32 v1, v0;
	_ =	sdelay $0x1  }
0x15c: {  	[tilespmem:s17+$0xFFFFFF30] =	vst v0;
	v0 =	vld [tilespmem:s17+$0xFFFFFF80]  }
0x15d: {  	v1 =	vld [tilespmem:s18+$0xFFFFFF80];
	_ =	sdelay $0x4  }
0x15e: {  	v0 =	vadd.f32 v1, v0;
	_ =	sdelay $0x1  }
0x15f: {  	[tilespmem:s17+$0xFFFFFF80] =	vst v0;
	v0 =	vld [tilespmem:s17+$0xFFFFFF90]  }
0x160: {  	v1 =	vld [tilespmem:s18+$0xFFFFFF90];
	_ =	sdelay $0x4  }
0x161: {  	v0 =	vadd.f32 v1, v0;
	_ =	sdelay $0x1  }
0x162: {  	[tilespmem:s17+$0xFFFFFF90] =	vst v0;
	v0 =	vld [tilespmem:s17+$0xFFFFFFA0]  }
0x163: {  	v1 =	vld [tilespmem:s18+$0xFFFFFFA0];
	_ =	sdelay $0x4  }
0x164: {  	v0 =	vadd.f32 v1, v0;
	_ =	sdelay $0x1  }
0x165: {  	[tilespmem:s17+$0xFFFFFFA0] =	vst v0;
	v0 =	vld [tilespmem:s17+$0xFFFFFFB0]  }
0x166: {  	v1 =	vld [tilespmem:s18+$0xFFFFFFB0];
	_ =	sdelay $0x4  }
0x167: {  	v0 =	vadd.f32 v1, v0;
	_ =	sdelay $0x1  }
0x168: {  	[tilespmem:s17+$0xFFFFFFB0] =	vst v0;
	v0 =	vld [tilespmem:s17+$0x0]  }
0x169: {  	v1 =	vld [tilespmem:s18+$0x0];
	_ =	sdelay $0x4  }
0x16a: {  	v0 =	vadd.f32 v1, v0;
	_ =	sdelay $0x1  }
0x16b: {  	[tilespmem:s17+$0x0] =	vst v0;
	v0 =	vld [tilespmem:s17+$0x10]  }
0x16c: {  	v1 =	vld [tilespmem:s18+$0x10];
	_ =	sdelay $0x4  }
0x16d: {  	v0 =	vadd.f32 v1, v0;
	_ =	sdelay $0x1  }
0x16e: {  	[tilespmem:s17+$0x10] =	vst v0;
	v0 =	vld [tilespmem:s17+$0x20]  }
0x16f: {  	v1 =	vld [tilespmem:s18+$0x20];
	_ =	sdelay $0x4  }
0x170: {  	v0 =	vadd.f32 v1, v0;
	_ =	sdelay $0x1  }
0x171: {  	[tilespmem:s17+$0x20] =	vst v0;
	v0 =	vld [tilespmem:s17+$0x30]  }
0x172: {  	v1 =	vld [tilespmem:s18+$0x30];
	_ =	sdelay $0x4  }
0x173: {  	v0 =	vadd.f32 v1, v0;
	_ =	sdelay $0x1  }
0x174: {  	[tilespmem:s17+$0x30] =	vst v0;
	v0 =	vld [tilespmem:s17+$0x80]  }
0x175: {  	v1 =	vld [tilespmem:s18+$0x80];
	_ =	sdelay $0x4  }
0x176: {  	v0 =	vadd.f32 v1, v0;
	_ =	sdelay $0x1  }
0x177: {  	[tilespmem:s17+$0x80] =	vst v0;
	v0 =	vld [tilespmem:s17+$0x90]  }
0x178: {  	v1 =	vld [tilespmem:s18+$0x90];
	_ =	sdelay $0x4  }
0x179: {  	v0 =	vadd.f32 v1, v0;
	_ =	sdelay $0x1  }
0x17a: {  	[tilespmem:s17+$0x90] =	vst v0;
	v0 =	vld [tilespmem:s17+$0xA0]  }
0x17b: {  	v1 =	vld [tilespmem:s18+$0xA0];
	_ =	sdelay $0x4  }
0x17c: {  	v0 =	vadd.f32 v1, v0;
	_ =	sdelay $0x1  }
0x17d: {  	[tilespmem:s17+$0xA0] =	vst v0;
	v0 =	vld [tilespmem:s17+$0xB0]  }
0x17e: {  	v1 =	vld [tilespmem:s18+$0xB0];
	_ =	sdelay $0x4  }
0x17f: {  	v0 =	vadd.f32 v1, v0  }
0x180: {  	s20 =	simm.s32 $0x500;
	s19 =	simm.s32 $0x0  }
.LBB2_8:
0x181: {  	v1 =	vld [tilespmem:s20+$0xFFFFFF00];
	[tilespmem:s17+$0xB0] =	vst v0;
	s18 =	sadd.s32 $0x200, s18;
	s17 =	smov.u32 s20  }
0x182: {  	s19 =	sadd.s32 $0x4, s19;
	v0 =	vld [tilespmem:s18+$0xFFFFFF00]  }
0x183: {  	p0 =	slt.u32 s19, $0xFC;
	_ =	sdelay $0x3  }
0x184: {  	v0 =	vadd.f32 v0, v1;
	_ =	sdelay $0x1  }
0x185: {  	[tilespmem:s20+$0xFFFFFF00] =	vst v0;
	v0 =	vld [tilespmem:s20+$0xFFFFFF10]  }
0x186: {  	v1 =	vld [tilespmem:s18+$0xFFFFFF10];
	_ =	sdelay $0x4  }
0x187: {  	v0 =	vadd.f32 v1, v0;
	_ =	sdelay $0x1  }
0x188: {  	[tilespmem:s20+$0xFFFFFF10] =	vst v0;
	v0 =	vld [tilespmem:s20+$0xFFFFFF20]  }
0x189: {  	v1 =	vld [tilespmem:s18+$0xFFFFFF20];
	_ =	sdelay $0x4  }
0x18a: {  	v0 =	vadd.f32 v1, v0;
	_ =	sdelay $0x1  }
0x18b: {  	[tilespmem:s20+$0xFFFFFF20] =	vst v0;
	v0 =	vld [tilespmem:s20+$0xFFFFFF30]  }
0x18c: {  	v1 =	vld [tilespmem:s18+$0xFFFFFF30];
	_ =	sdelay $0x4  }
0x18d: {  	v0 =	vadd.f32 v1, v0;
	_ =	sdelay $0x1  }
0x18e: {  	[tilespmem:s20+$0xFFFFFF30] =	vst v0;
	v0 =	vld [tilespmem:s20+$0xFFFFFF80]  }
0x18f: {  	v1 =	vld [tilespmem:s18+$0xFFFFFF80];
	_ =	sdelay $0x4  }
0x190: {  	v0 =	vadd.f32 v1, v0;
	_ =	sdelay $0x1  }
0x191: {  	[tilespmem:s20+$0xFFFFFF80] =	vst v0;
	v0 =	vld [tilespmem:s20+$0xFFFFFF90]  }
0x192: {  	v1 =	vld [tilespmem:s18+$0xFFFFFF90];
	_ =	sdelay $0x4  }
0x193: {  	v0 =	vadd.f32 v1, v0;
	_ =	sdelay $0x1  }
0x194: {  	[tilespmem:s20+$0xFFFFFF90] =	vst v0;
	v0 =	vld [tilespmem:s20+$0xFFFFFFA0]  }
0x195: {  	v1 =	vld [tilespmem:s18+$0xFFFFFFA0];
	_ =	sdelay $0x4  }
0x196: {  	v0 =	vadd.f32 v1, v0;
	_ =	sdelay $0x1  }
0x197: {  	[tilespmem:s20+$0xFFFFFFA0] =	vst v0;
	v0 =	vld [tilespmem:s20+$0xFFFFFFB0]  }
0x198: {  	v1 =	vld [tilespmem:s18+$0xFFFFFFB0];
	_ =	sdelay $0x4  }
0x199: {  	v0 =	vadd.f32 v1, v0;
	_ =	sdelay $0x1  }
0x19a: {  	[tilespmem:s20+$0xFFFFFFB0] =	vst v0;
	v0 =	vld [tilespmem:s20+$0x0]  }
0x19b: {  	v1 =	vld [tilespmem:s18+$0x0];
	_ =	sdelay $0x4  }
0x19c: {  	v0 =	vadd.f32 v1, v0;
	_ =	sdelay $0x1  }
0x19d: {  	[tilespmem:s20+$0x0] =	vst v0;
	v0 =	vld [tilespmem:s20+$0x10]  }
0x19e: {  	v1 =	vld [tilespmem:s18+$0x10];
	_ =	sdelay $0x4  }
0x19f: {  	v0 =	vadd.f32 v1, v0;
	_ =	sdelay $0x1  }
0x1a0: {  	[tilespmem:s20+$0x10] =	vst v0;
	v0 =	vld [tilespmem:s20+$0x20]  }
0x1a1: {  	v1 =	vld [tilespmem:s18+$0x20];
	_ =	sdelay $0x4  }
0x1a2: {  	v0 =	vadd.f32 v1, v0;
	_ =	sdelay $0x1  }
0x1a3: {  	[tilespmem:s20+$0x20] =	vst v0;
	v0 =	vld [tilespmem:s20+$0x30]  }
0x1a4: {  	v1 =	vld [tilespmem:s18+$0x30];
	_ =	sdelay $0x4  }
0x1a5: {  	v0 =	vadd.f32 v1, v0;
	_ =	sdelay $0x1  }
0x1a6: {  	[tilespmem:s20+$0x30] =	vst v0;
	v0 =	vld [tilespmem:s20+$0x80]  }
0x1a7: {  	v1 =	vld [tilespmem:s18+$0x80];
	_ =	sdelay $0x4  }
0x1a8: {  	v0 =	vadd.f32 v1, v0;
	_ =	sdelay $0x1  }
0x1a9: {  	[tilespmem:s20+$0x80] =	vst v0;
	v0 =	vld [tilespmem:s20+$0x90]  }
0x1aa: {  	v1 =	vld [tilespmem:s18+$0x90];
	_ =	sdelay $0x4  }
0x1ab: {  	v0 =	vadd.f32 v1, v0;
	_ =	sdelay $0x1  }
0x1ac: {  	[tilespmem:s20+$0x90] =	vst v0;
	v0 =	vld [tilespmem:s20+$0xA0]  }
0x1ad: {  	v1 =	vld [tilespmem:s18+$0xA0];
	_ =	sdelay $0x4  }
0x1ae: {  	v0 =	vadd.f32 v1, v0;
	_ =	sdelay $0x1  }
0x1af: {  	[tilespmem:s20+$0xA0] =	vst v0;
	v0 =	vld [tilespmem:s20+$0xB0]  }
0x1b0: {  	v1 =	vld [tilespmem:s18+$0xB0];
	_ =	sdelay $0x1  }
.Ltmp3:
0x1b1: {  	(pc) =	sbr.rel @p0 .LBB2_8-.Ltmp3, $3  }
0x1b2: {  	_ =	sdelay $0x1  }
0x1b3: {  	v0 =	vadd.f32 v1, v0  }
0x1b4: {  	s20 =	sadd.s32 $0x200, s20  }
0x1b5: {  	s16 =	sadd.s32 $0x1, s16  }
0x1b6: {  	p0 =	sne.s32 s16, s9  }
.Ltmp4:
0x1b7: {  	[tilespmem:s17+$0xB0] =	vst v0;
	s0 =	simm.s32 $0x200;
	(pc) =	sbr.rel @p0 .LBB2_1-.Ltmp4, $4  }
0x1b8: {  	[hbm4b:s8+s1] =	stream.linear.scatter [tilespmem:s0], [sflag:$0x2], $0x8000, $0x38;
	[tilespmem:$0x10200] =	vst v63  }
0x1b9: {  	_ =	swait.ge [sflag:s12], $0x8000  }
0x1ba: {  	[sflag:s12] =	ssyncset.done $0x0  }
0x1bb: {  	[sflag:s12] =	ssyncadd.s32 $0xFFFF8000  }
0x1bc: {  	_ =	sfence.sel $0x180000  }
0x1bd: {  	[bflag:$0x0] =	sbarrier.arrive $0xFFFF  }
0x1be: {  	_ =	strace $0x90000047  }
0x1bf: {  	s0 =	stileid.u32;
	[bflag:$0x2] =	sbarrier.arrive $0xFFFF  }
0x1c0: {  	p0 =	sne.s32 s0, $0x0;
	s0 =	rddreg [dreg:$0x2]  }
0x1c1: {  	s0 =	sadd.s32 @!p0 $0x100000, s0  }
0x1c2: {  	[sflag:s0] =	ssyncadd.tile.s32 @!p0 $0x1;
	_ =	shalt  }
.Lfunc_end2:
_tile_overlayer_lowered:
.L_overlay_start_2:
0x1c3: {  	(tag) =	ssettag $0x2  }
0x1c4: {  	s0 =	rddreg [dreg:$0x0];
	s2 =	stileid.u32  }
0x1c5: {  	s1 =	rddreg [dreg:$0x1];
	p0 =	sne.s32 s2, $0x0  }
0x1c6: {  	s3 =	rddreg [dreg:$0x2];
	[bflag:$0x3] =	sbarrier.arrive $0xFFFF;
	s2 =	simm.s32 @!p0 $0x1C02  }
0x1c7: {  	[timem:s3], [sflag:s2] =	dma.local @!p0 [hbm:s0], s1  }
0x1c8: {  	s0 =	simm.s32 @!p0 $0x2  }
0x1c9: {  	_ =	swait.ge @!p0 [sflag:s0], s1  }
0x1ca: {  	s1 =	ssub.s32 @!p0 $0x0, s1;
	[sflag:s0] =	ssyncset.done @!p0 $0x0  }
0x1cb: {  	[sflag:s0] =	ssyncadd.s32 @!p0 s1  }
0x1cc: {  	[bflag:$0x3] =	sbarrier.arrive $0xFFFF  }
0x1cd: {  	_ =	shalt  }

</sc_bundles>
